<compile_context>
chip_gen: v7x
topology: tpu7x:2x2x1
jax: 0.10.2.dev20260603
libtpu: 0.0.44.dev20260713+nightly
codegen_flags: <defaults>
</compile_context>

<pallas_src>
import jax
import jax.numpy as jnp
from jax.experimental import pallas as pl
from jax.experimental.pallas import tpu as pltpu

_SQRT2PI = 2.5066282746310002
_N = 128
_F = 65536
_ROWS = 8
_K = _N // _ROWS
_NTOT = float(_N * _F)
_NPASS = 5

_C, _SIG, _M = 0, 1, 2
_SX, _SX2, _MIN, _MAX = 3, 4, 5, 6
_SP, _SXP = 7, 8
_MRANGE = 9


def _em_passes_body(x_ref, out_ref, rs_ref, sm):
    p = pl.program_id(0)
    k = pl.program_id(1)
    x = x_ref[...]
    first = k == 0

    @pl.when(p == 0)
    def _stats_pass():
        t = x * x
        bs = jnp.sum(x)
        bs2 = jnp.sum(t)
        bmin = jnp.min(x)
        bmax = jnp.max(x)
        sm[_SX] = jnp.where(first, bs, sm[_SX] + bs)
        sm[_SX2] = jnp.where(first, bs2, sm[_SX2] + bs2)
        sm[_MIN] = jnp.where(first, bmin, jnp.minimum(sm[_MIN], bmin))
        sm[_MAX] = jnp.where(first, bmax, jnp.maximum(sm[_MAX], bmax))

        @pl.when(k == _K - 1)
        def _():
            mu0 = sm[_SX] / _NTOT
            var0 = (sm[_SX2] - _NTOT * mu0 * mu0) / (_NTOT - 1.0)
            sm[_SIG] = jnp.sqrt(var0)
            sm[_C] = 0.9
            sm[_M] = 0.05
            sm[_MRANGE] = 1.0 / (sm[_MAX] - sm[_MIN])

    @pl.when(jnp.logical_and(p >= 1, p <= 3))
    def _em_pass():
        c = sm[_C]
        sig = sm[_SIG]
        m = sm[_M]
        u = 0.5 / (sig * sig)
        a = (1.0 - c) * m * sig * _SQRT2PI / c
        t = x * x
        pp = 1.0 / (1.0 + a * jnp.exp(t * u))
        bsp = jnp.sum(pp)
        bsxp = jnp.sum(t * pp)
        sm[_SP] = jnp.where(first, bsp, sm[_SP] + bsp)
        sm[_SXP] = jnp.where(first, bsxp, sm[_SXP] + bsxp)

        @pl.when(k == _K - 1)
        def _():
            c_new = sm[_SP] / _NTOT
            c2 = jnp.where(c_new < 0.1, 0.9, c_new)
            sg = jnp.sqrt((sm[_SXP] / _NTOT) / c2)
            sm[_C] = c2
            sm[_SIG] = jnp.maximum(sg, 1e-4)
            sm[_M] = sm[_MRANGE]

    @pl.when(p == _NPASS - 1)
    def _final_pass():
        c = sm[_C]
        sig = sm[_SIG]
        m = sm[_M]
        u = 0.5 / (sig * sig)
        a = (1.0 - c) * m * sig * _SQRT2PI / c
        t = x * x
        pp = 1.0 / (1.0 + a * jnp.exp(t * u))
        out_ref[...] = pp
        q = 1.0 - pp
        rs = jnp.sum(q * q, axis=1)
        rs_ref[...] = jnp.broadcast_to(rs[:, None], (_ROWS, 128))[None]


def _slice_em_body(rs_ref, scale_ref, out_ref):
    x = jnp.sqrt(rs_ref[...] / _F)
    scale = scale_ref[...]
    msk0 = jnp.logical_and(scale > 0.2, scale < 5.0)
    p0 = msk0.astype(jnp.float32)
    total = jnp.sum(p0)
    empty = total == 0.0
    mask_slice = jnp.logical_or(msk0, empty)
    p_sl = jnp.where(empty, 1.0, p0)
    msf = mask_slice.astype(jnp.float32)
    n_m = jnp.sum(msf)
    c = jnp.float32(0.9)
    for _ in range(3):
        sum_in = jnp.sum(x * p_sl * msf)
        sum_out = jnp.sum(x * (1.0 - p_sl) * msf)
        n_in = jnp.sum(p_sl * msf)
        n_out = n_m - n_in
        x_min = jnp.min(jnp.where(mask_slice, x, jnp.inf))
        x_max = jnp.max(jnp.where(mask_slice, x, -jnp.inf))
        mu_in = jnp.where(n_in > 0, sum_in / jnp.where(n_in > 0, n_in, 1.0), x_min)
        mu_out = jnp.where(n_out > 0, sum_out / jnp.where(n_out > 0, n_out, 1.0),
                           (x_max + mu_in) / 2.0)
        sum2_in = jnp.sum(((x - mu_in) ** 2) * p_sl * msf)
        sum2_out = jnp.sum(((x - mu_out) ** 2) * p_sl * msf)
        cond_in = jnp.logical_and(sum2_in > 0, n_in > 0)
        sigma_in = jnp.where(
            cond_in,
            jnp.sqrt(jnp.where(cond_in, sum2_in / jnp.where(n_in > 0, n_in, 1.0), 1.0)),
            0.025)
        sigma_in = jnp.maximum(sigma_in, 1e-4)
        cond_out = jnp.logical_and(sum2_out > 0, n_out > 0)
        sigma_out = jnp.where(
            cond_out,
            jnp.sqrt(jnp.where(cond_out, sum2_out / jnp.where(n_out > 0, n_out, 1.0), 1.0)),
            (mu_out - mu_in) ** 2 / 4.0)
        sigma_out = jnp.maximum(sigma_out, 1e-4)
        z_in = (x - mu_in) / sigma_in
        g_in = jnp.exp(-0.5 * z_in * z_in) / (sigma_in * _SQRT2PI)
        z_out = (x - mu_out) / sigma_out
        g_out = jnp.exp(-0.5 * z_out * z_out) / (sigma_out * _SQRT2PI)
        den = c * g_in + (1.0 - c) * g_out
        p_new = jnp.where(den > 0, c * g_in / jnp.where(den > 0, den, 1.0), 0.0)
        mask_p = p_new > 0
        p_new = jnp.where(~mask_p, 1.0, p_new)
        p_new = jnp.where(jnp.logical_and(x > mu_out, ~mask_p), 0.0, p_new)
        reset = jnp.logical_or(n_in <= 0, mu_out <= mu_in)
        p_new = jnp.where(reset, 1.0, p_new)
        p_sl = jnp.where(mask_slice, p_new, p_sl)
        c = jnp.sum(p_new * msf) / n_m
    out_ref[...] = p_sl


def kernel(slices, mask, weight, scale, n_iter):
    del mask, weight, n_iter
    x = slices.reshape(_N, _F)
    p_voxel, rs = pl.pallas_call(
        _em_passes_body,
        grid=(_NPASS, _K),
        in_specs=[pl.BlockSpec((_ROWS, _F), lambda p, k: (k, 0))],
        out_specs=[
            pl.BlockSpec((_ROWS, _F), lambda p, k: (k, 0)),
            pl.BlockSpec((1, _ROWS, 128), lambda p, k: (k, 0, 0)),
        ],
        out_shape=[
            jax.ShapeDtypeStruct((_N, _F), jnp.float32),
            jax.ShapeDtypeStruct((_K, _ROWS, 128), jnp.float32),
        ],
        scratch_shapes=[pltpu.SMEM((12,), jnp.float32)],
    )(x)
    rs_vec = rs.reshape(_N, 128)[:, :1].reshape(1, _N)
    p_slice = pl.pallas_call(
        _slice_em_body,
        out_shape=jax.ShapeDtypeStruct((1, _N), jnp.float32),
    )(rs_vec, scale.reshape(1, _N))
    return p_voxel.reshape(slices.shape), p_slice.reshape(_N)

# --- scband reference (transcript-rebuilt; emitter-appended) ---
"""Pipeline reference for scband-em-45509473468739 (READ-ONLY COPY).

The authoritative reference and input builder live on the scoring server;
editing this copy changes nothing except your own understanding.
"""

import jax, jax.numpy as jnp
import numpy as np

MAX_INTENSITY = 5.0
MIN_INTENSITY = -5.0
C_VOXEL_INIT = 0.9
C_SLICE_INIT = 0.9


def normal_pdf(x, mu, sigma):
    z = (x - mu) / sigma
    return jnp.exp(-0.5 * z * z) / (sigma * jnp.sqrt(2.0 * jnp.pi))


def voxel_outlier_update(x, sigma, m, c):
    g = normal_pdf(x, 0.0, sigma)
    gc = g * c
    return gc / (gc + (1.0 - c) * m)


def slice_outlier_update_masked(x, p, msf, mask_slice, c, n_m):
    # masked reformulation of slice_outlier_update(x[mask], p[mask], c)
    sum_in = (x * p * msf).sum()
    sum_out = (x * (1.0 - p) * msf).sum()
    N_in = (p * msf).sum()
    N_out = n_m - N_in
    x_min = jnp.min(jnp.where(mask_slice, x, jnp.inf))
    x_max = jnp.max(jnp.where(mask_slice, x, -jnp.inf))
    mu_in = jnp.where(N_in > 0, sum_in / jnp.where(N_in > 0, N_in, 1.0), x_min)
    mu_out = jnp.where(N_out > 0, sum_out / jnp.where(N_out > 0, N_out, 1.0), (x_max + mu_in) / 2.0)
    sum2_in = (((x - mu_in) ** 2) * p * msf).sum()
    sum2_out = (((x - mu_out) ** 2) * p * msf).sum()
    cond_in = jnp.logical_and(sum2_in > 0, N_in > 0)
    sigma_in = jnp.where(cond_in, jnp.sqrt(jnp.where(cond_in, sum2_in / jnp.where(N_in > 0, N_in, 1.0), 1.0)), 0.025)
    sigma_in = jnp.maximum(sigma_in, 1e-4)
    cond_out = jnp.logical_and(sum2_out > 0, N_out > 0)
    sigma_out = jnp.where(cond_out, jnp.sqrt(jnp.where(cond_out, sum2_out / jnp.where(N_out > 0, N_out, 1.0), 1.0)), (mu_out - mu_in) ** 2 / 4.0)
    sigma_out = jnp.maximum(sigma_out, 1e-4)
    g_in = normal_pdf(x, mu_in, sigma_in)
    g_out = normal_pdf(x, mu_out, sigma_out)
    den = c * g_in + (1.0 - c) * g_out
    p_new = jnp.where(den > 0, c * g_in / jnp.where(den > 0, den, 1.0), 0.0)
    mask_p = p_new > 0
    p_new = jnp.where(~mask_p, 1.0, p_new)
    p_new = jnp.where(jnp.logical_and(x > mu_out, ~mask_p), 0.0, p_new)
    reset = jnp.logical_or(N_in <= 0, mu_out <= mu_in)
    p_new = jnp.where(reset, 1.0, p_new)
    p_out = jnp.where(mask_slice, p_new, p)
    c_new = (p_new * msf).sum() / n_m
    return c_new, p_out


def _em_forward(err, slices_mask, weight, scale, n_iter):
    mask_voxel_low = weight > 0
    mask_voxel_high = weight > 0.99
    mh = mask_voxel_high.astype(jnp.float32)
    n_h = mh.sum()
    # sigma_voxel init: unbiased std over high-confidence voxels (torch .std())
    mu0 = (err * mh).sum() / n_h
    var0 = (((err - mu0) ** 2) * mh).sum() / (n_h - 1.0)
    sigma_voxel = jnp.sqrt(var0)
    m = 1.0 / (2.0 * (MAX_INTENSITY - MIN_INTENSITY))
    c_voxel = jnp.float32(C_VOXEL_INIT)
    mask_both = jnp.logical_and(slices_mask, mask_voxel_high)
    mb = mask_both.astype(jnp.float32)
    n_mb = mb.sum()
    for _ in range(n_iter):
        p_full = voxel_outlier_update(err, sigma_voxel, m, c_voxel)
        c_new = (p_full * mb).sum() / n_mb
        c_voxel = jnp.where(c_new < 0.1, jnp.float32(C_VOXEL_INIT), c_new)
        sigma_voxel = jnp.sqrt(((err * err * p_full * mb).sum() / n_mb) / c_voxel)
        sigma_voxel = jnp.maximum(sigma_voxel, 1e-4)
        err_max = jnp.max(jnp.where(mask_both, err, -jnp.inf))
        err_min = jnp.min(jnp.where(mask_both, err, jnp.inf))
        m = 1.0 / (err_max - err_min)
    p_voxel = jnp.where(mask_voxel_low, voxel_outlier_update(err, sigma_voxel, m, c_voxel), 0.0)
    denom = mh.sum(axis=(1, 2, 3))
    potential = ((1.0 - p_voxel) ** 2 * mh).sum(axis=(1, 2, 3))
    potential = jnp.sqrt(potential / jnp.where(denom > 0, denom, 1.0))
    mask_1 = denom > 0
    sms = slices_mask.astype(jnp.float32).sum(axis=(1, 2, 3))
    mask_2 = sms > jnp.median(sms) * 0.1
    mask_slice = jnp.logical_and(mask_1, mask_2)
    if scale is not None:
        mask_slice = jnp.logical_and(mask_slice, jnp.logical_and(scale > 0.2, scale < 5.0))
    p_slice = jnp.ones(mask_slice.shape, dtype=jnp.float32)
    p_slice = jnp.where(~mask_slice, 0.0, p_slice)
    p_slice = jnp.where(jnp.logical_and(mask_slice, p_slice == 0), 1.0, p_slice)
    total = p_slice.sum()
    p_slice = jnp.where(total == 0, 1.0, p_slice)
    mask_slice = jnp.logical_or(mask_slice, total == 0)
    msf = mask_slice.astype(jnp.float32)
    n_m = msf.sum()
    c_slice = jnp.float32(C_SLICE_INIT)
    for _ in range(n_iter):
        c_slice, p_slice = slice_outlier_update_masked(potential, p_slice, msf, mask_slice, c_slice, n_m)
    return p_voxel, p_slice


def setup_inputs(seed: int = 0):
    key = jax.random.key(seed)
    k1, k2 = jax.random.split(key)
    N, C, H, W = 128, 1, 256, 256
    slices = jax.random.normal(k1, (N, C, H, W), dtype=jnp.float32)
    mask = jnp.ones((N, C, H, W), dtype=bool)
    weight = jnp.ones((N, C, H, W), dtype=jnp.float32)
    scale = jax.random.uniform(k2, (N,), dtype=jnp.float32)
    return {"slices": slices, "mask": mask, "weight": weight, "scale": scale, "n_iter": 3}


def reference(slices, mask, weight, scale, n_iter):
    one = jnp.asarray(n_iter, slices.dtype) * 0.0 + 1.0
    return _em_forward(slices * one, mask, weight, scale, 3)

if __name__ == "__main__":
    import jax
    _d = setup_inputs()
    print(jax.jit(kernel)(*tuple(_d.values())))

</pallas_src>

<mosaic_0001>
module attributes {stable_mosaic.version = 14 : i64} {
  func.func @_em_passes_body(%arg0: i32, %arg1: i32, %arg2: memref<8x65536xf32, #tpu.memory_space<vmem>>, %arg3: memref<8x65536xf32, #tpu.memory_space<vmem>>, %arg4: memref<1x8x128xf32, #tpu.memory_space<vmem>>, %arg5: memref<12xf32, #tpu.memory_space<smem>>) attributes {dimension_semantics = [#tpu.dimension_semantics<arbitrary>, #tpu.dimension_semantics<arbitrary>], iteration_bounds = array<i64: 5, 16>, scalar_prefetch = 0 : i64, scratch_operands = 1 : i64, tpu.core_type = #tpu.core_type<tc>, window_params = [{transform_indices = @transform_0, window_bounds = array<i64: 8, 65536>}, {transform_indices = @transform_1, window_bounds = array<i64: 8, 65536>}, {transform_indices = @transform_2, window_bounds = array<i64: 1, 8, 128>}]} {
    %get3A = arith.constant 0 : index
    %get3A_0 = arith.constant 0 : index
    %get3A_1 = vector.load %arg2[%get3A, %get3A_0] : memref<8x65536xf32, #tpu.memory_space<vmem>>, vector<8x65536xf32>
    %eq3A = arith.constant 0 : i32
    %eq3A_2 = arith.cmpi eq, %arg1, %eq3A : i32
    %eq3A_3 = arith.constant 0 : i32
    %eq3A_4 = arith.cmpi eq, %arg0, %eq3A_3 : i32
    %convert_element_type3A = arith.extui %eq3A_4 : i1 to i32
    %cond3A = arith.constant 0 : i32
    %cond3A_5 = arith.cmpi ne, %convert_element_type3A, %cond3A : i32
    scf.if %cond3A_5 {
      %mul3A = arith.mulf %get3A_1, %get3A_1 : vector<8x65536xf32>
      %reduce_sum3A = vector.shape_cast %get3A_1 : vector<8x65536xf32> to vector<1x8x65536xf32>
      %reduce_sum3A_16 = arith.constant dense<0.000000e+00> : vector<1xf32>
      %reduce_sum3A_17 = vector.multi_reduction <add>, %reduce_sum3A, %reduce_sum3A_16 [1, 2] : vector<1x8x65536xf32> to vector<1xf32>
      %reduce_sum3A_18 = vector.shape_cast %reduce_sum3A_17 : vector<1xf32> to vector<1x1x1xf32>
      %reduce_sum3A_19 = vector.extract %reduce_sum3A_18[0, 0, 0] : f32 from vector<1x1x1xf32>
      %reduce_sum3A_20 = vector.shape_cast %mul3A : vector<8x65536xf32> to vector<1x8x65536xf32>
      %reduce_sum3A_21 = arith.constant dense<0.000000e+00> : vector<1xf32>
      %reduce_sum3A_22 = vector.multi_reduction <add>, %reduce_sum3A_20, %reduce_sum3A_21 [1, 2] : vector<1x8x65536xf32> to vector<1xf32>
      %reduce_sum3A_23 = vector.shape_cast %reduce_sum3A_22 : vector<1xf32> to vector<1x1x1xf32>
      %reduce_sum3A_24 = vector.extract %reduce_sum3A_23[0, 0, 0] : f32 from vector<1x1x1xf32>
      %reduce_min3A = vector.shape_cast %get3A_1 : vector<8x65536xf32> to vector<1x8x65536xf32>
      %reduce_min3A_25 = arith.constant dense<0x7F800000> : vector<1xf32>
      %reduce_min3A_26 = vector.multi_reduction <minimumf>, %reduce_min3A, %reduce_min3A_25 [1, 2] : vector<1x8x65536xf32> to vector<1xf32>
      %reduce_min3A_27 = vector.shape_cast %reduce_min3A_26 : vector<1xf32> to vector<1x1x1xf32>
      %reduce_min3A_28 = vector.extract %reduce_min3A_27[0, 0, 0] : f32 from vector<1x1x1xf32>
      %reduce_max3A = vector.shape_cast %get3A_1 : vector<8x65536xf32> to vector<1x8x65536xf32>
      %reduce_max3A_29 = arith.constant dense<0xFF800000> : vector<1xf32>
      %reduce_max3A_30 = vector.multi_reduction <maximumf>, %reduce_max3A, %reduce_max3A_29 [1, 2] : vector<1x8x65536xf32> to vector<1xf32>
      %reduce_max3A_31 = vector.shape_cast %reduce_max3A_30 : vector<1xf32> to vector<1x1x1xf32>
      %reduce_max3A_32 = vector.extract %reduce_max3A_31[0, 0, 0] : f32 from vector<1x1x1xf32>
      %get3A_33 = arith.constant 3 : index
      %get3A_34 = memref.load %arg5[%get3A_33] : memref<12xf32, #tpu.memory_space<smem>>
      %add3A = arith.addf %get3A_34, %reduce_sum3A_19 : f32
      %select_n3A = arith.select %eq3A_2, %reduce_sum3A_19, %add3A : f32
      %swap3A = arith.constant 3 : index
      %swap3A_35 = memref.load %arg5[%swap3A] : memref<12xf32, #tpu.memory_space<smem>>
      memref.store %select_n3A, %arg5[%swap3A] : memref<12xf32, #tpu.memory_space<smem>>
      %get3A_36 = arith.constant 4 : index
      %get3A_37 = memref.load %arg5[%get3A_36] : memref<12xf32, #tpu.memory_space<smem>>
      %add3A_38 = arith.addf %get3A_37, %reduce_sum3A_24 : f32
      %select_n3A_39 = arith.select %eq3A_2, %reduce_sum3A_24, %add3A_38 : f32
      %swap3A_40 = arith.constant 4 : index
      %swap3A_41 = memref.load %arg5[%swap3A_40] : memref<12xf32, #tpu.memory_space<smem>>
      memref.store %select_n3A_39, %arg5[%swap3A_40] : memref<12xf32, #tpu.memory_space<smem>>
      %get3A_42 = arith.constant 5 : index
      %get3A_43 = memref.load %arg5[%get3A_42] : memref<12xf32, #tpu.memory_space<smem>>
      %min3A = arith.minimumf %get3A_43, %reduce_min3A_28 : f32
      %select_n3A_44 = arith.select %eq3A_2, %reduce_min3A_28, %min3A : f32
      %swap3A_45 = arith.constant 5 : index
      %swap3A_46 = memref.load %arg5[%swap3A_45] : memref<12xf32, #tpu.memory_space<smem>>
      memref.store %select_n3A_44, %arg5[%swap3A_45] : memref<12xf32, #tpu.memory_space<smem>>
      %get3A_47 = arith.constant 6 : index
      %get3A_48 = memref.load %arg5[%get3A_47] : memref<12xf32, #tpu.memory_space<smem>>
      %max3A = arith.maximumf %get3A_48, %reduce_max3A_32 : f32
      %select_n3A_49 = arith.select %eq3A_2, %reduce_max3A_32, %max3A : f32
      %swap3A_50 = arith.constant 6 : index
      %swap3A_51 = memref.load %arg5[%swap3A_50] : memref<12xf32, #tpu.memory_space<smem>>
      memref.store %select_n3A_49, %arg5[%swap3A_50] : memref<12xf32, #tpu.memory_space<smem>>
      %eq3A_52 = arith.constant 15 : i32
      %eq3A_53 = arith.cmpi eq, %arg1, %eq3A_52 : i32
      %convert_element_type3A_54 = arith.extui %eq3A_53 : i1 to i32
      %cond3A_55 = arith.constant 0 : i32
      %cond3A_56 = arith.cmpi ne, %convert_element_type3A_54, %cond3A_55 : i32
      scf.if %cond3A_56 {
        %get3A_57 = arith.constant 3 : index
        %get3A_58 = memref.load %arg5[%get3A_57] : memref<12xf32, #tpu.memory_space<smem>>
        %div3A = arith.constant 0x4B000000 : f32
        %div3A_59 = arith.divf %get3A_58, %div3A : f32
        %get3A_60 = arith.constant 4 : index
        %get3A_61 = memref.load %arg5[%get3A_60] : memref<12xf32, #tpu.memory_space<smem>>
        %mul3A_62 = arith.constant 0x4B000000 : f32
        %mul3A_63 = arith.mulf %mul3A_62, %div3A_59 : f32
        %mul3A_64 = arith.mulf %mul3A_63, %div3A_59 : f32
        %sub3A = arith.subf %get3A_61, %mul3A_64 : f32
        %div3A_65 = arith.constant 0x4AFFFFFE : f32
        %div3A_66 = arith.divf %sub3A, %div3A_65 : f32
        %sqrt3A = math.sqrt %div3A_66 : f32
        %swap3A_67 = arith.constant 1 : index
        %swap3A_68 = memref.load %arg5[%swap3A_67] : memref<12xf32, #tpu.memory_space<smem>>
        memref.store %sqrt3A, %arg5[%swap3A_67] : memref<12xf32, #tpu.memory_space<smem>>
        %swap3A_69 = arith.constant 0.899999976 : f32
        %swap3A_70 = arith.constant 0 : index
        %swap3A_71 = memref.load %arg5[%swap3A_70] : memref<12xf32, #tpu.memory_space<smem>>
        memref.store %swap3A_69, %arg5[%swap3A_70] : memref<12xf32, #tpu.memory_space<smem>>
        %swap3A_72 = arith.constant 5.000000e-02 : f32
        %swap3A_73 = arith.constant 2 : index
        %swap3A_74 = memref.load %arg5[%swap3A_73] : memref<12xf32, #tpu.memory_space<smem>>
        memref.store %swap3A_72, %arg5[%swap3A_73] : memref<12xf32, #tpu.memory_space<smem>>
        %get3A_75 = arith.constant 6 : index
        %get3A_76 = memref.load %arg5[%get3A_75] : memref<12xf32, #tpu.memory_space<smem>>
        %get3A_77 = arith.constant 5 : index
        %get3A_78 = memref.load %arg5[%get3A_77] : memref<12xf32, #tpu.memory_space<smem>>
        %sub3A_79 = arith.subf %get3A_76, %get3A_78 : f32
        %div3A_80 = arith.constant 1.000000e+00 : f32
        %div3A_81 = arith.divf %div3A_80, %sub3A_79 : f32
        %swap3A_82 = arith.constant 9 : index
        %swap3A_83 = memref.load %arg5[%swap3A_82] : memref<12xf32, #tpu.memory_space<smem>>
        memref.store %div3A_81, %arg5[%swap3A_82] : memref<12xf32, #tpu.memory_space<smem>>
      } else {
      }
    } else {
    }
    %ge3A = arith.constant 1 : i32
    %ge3A_6 = arith.cmpi sge, %arg0, %ge3A : i32
    %le3A = arith.constant 3 : i32
    %le3A_7 = arith.cmpi sle, %arg0, %le3A : i32
    %and3A = arith.andi %ge3A_6, %le3A_7 : i1
    %convert_element_type3A_8 = arith.extui %and3A : i1 to i32
    %cond3A_9 = arith.constant 0 : i32
    %cond3A_10 = arith.cmpi ne, %convert_element_type3A_8, %cond3A_9 : i32
    scf.if %cond3A_10 {
      %get3A_16 = arith.constant 0 : index
      %get3A_17 = memref.load %arg5[%get3A_16] : memref<12xf32, #tpu.memory_space<smem>>
      %get3A_18 = arith.constant 1 : index
      %get3A_19 = memref.load %arg5[%get3A_18] : memref<12xf32, #tpu.memory_space<smem>>
      %get3A_20 = arith.constant 2 : index
      %get3A_21 = memref.load %arg5[%get3A_20] : memref<12xf32, #tpu.memory_space<smem>>
      %mul3A = arith.mulf %get3A_19, %get3A_19 : f32
      %div3A = arith.constant 5.000000e-01 : f32
      %div3A_22 = arith.divf %div3A, %mul3A : f32
      %sub3A = arith.constant 1.000000e+00 : f32
      %sub3A_23 = arith.subf %sub3A, %get3A_17 : f32
      %mul3A_24 = arith.mulf %sub3A_23, %get3A_21 : f32
      %mul3A_25 = arith.mulf %mul3A_24, %get3A_19 : f32
      %mul3A_26 = arith.constant 2.50662827 : f32
      %mul3A_27 = arith.mulf %mul3A_25, %mul3A_26 : f32
      %div3A_28 = arith.divf %mul3A_27, %get3A_17 : f32
      %mul3A_29 = arith.mulf %get3A_1, %get3A_1 : vector<8x65536xf32>
      %mul3A_30 = vector.broadcast %div3A_22 : f32 to vector<8x65536xf32>
      %mul3A_31 = arith.mulf %mul3A_29, %mul3A_30 : vector<8x65536xf32>
      %exp3A = math.exp %mul3A_31 : vector<8x65536xf32>
      %mul3A_32 = vector.broadcast %div3A_28 : f32 to vector<8x65536xf32>
      %mul3A_33 = arith.mulf %mul3A_32, %exp3A : vector<8x65536xf32>
      %add3A = arith.constant 1.000000e+00 : f32
      %add3A_34 = vector.broadcast %add3A : f32 to vector<8x65536xf32>
      %add3A_35 = arith.addf %add3A_34, %mul3A_33 : vector<8x65536xf32>
      %div3A_36 = arith.constant 1.000000e+00 : f32
      %div3A_37 = vector.broadcast %div3A_36 : f32 to vector<8x65536xf32>
      %div3A_38 = arith.divf %div3A_37, %add3A_35 : vector<8x65536xf32>
      %reduce_sum3A = vector.shape_cast %div3A_38 : vector<8x65536xf32> to vector<1x8x65536xf32>
      %reduce_sum3A_39 = arith.constant dense<0.000000e+00> : vector<1xf32>
      %reduce_sum3A_40 = vector.multi_reduction <add>, %reduce_sum3A, %reduce_sum3A_39 [1, 2] : vector<1x8x65536xf32> to vector<1xf32>
      %reduce_sum3A_41 = vector.shape_cast %reduce_sum3A_40 : vector<1xf32> to vector<1x1x1xf32>
      %reduce_sum3A_42 = vector.extract %reduce_sum3A_41[0, 0, 0] : f32 from vector<1x1x1xf32>
      %mul3A_43 = arith.mulf %mul3A_29, %div3A_38 : vector<8x65536xf32>
      %reduce_sum3A_44 = vector.shape_cast %mul3A_43 : vector<8x65536xf32> to vector<1x8x65536xf32>
      %reduce_sum3A_45 = arith.constant dense<0.000000e+00> : vector<1xf32>
      %reduce_sum3A_46 = vector.multi_reduction <add>, %reduce_sum3A_44, %reduce_sum3A_45 [1, 2] : vector<1x8x65536xf32> to vector<1xf32>
      %reduce_sum3A_47 = vector.shape_cast %reduce_sum3A_46 : vector<1xf32> to vector<1x1x1xf32>
      %reduce_sum3A_48 = vector.extract %reduce_sum3A_47[0, 0, 0] : f32 from vector<1x1x1xf32>
      %get3A_49 = arith.constant 7 : index
      %get3A_50 = memref.load %arg5[%get3A_49] : memref<12xf32, #tpu.memory_space<smem>>
      %add3A_51 = arith.addf %get3A_50, %reduce_sum3A_42 : f32
      %select_n3A = arith.select %eq3A_2, %reduce_sum3A_42, %add3A_51 : f32
      %swap3A = arith.constant 7 : index
      %swap3A_52 = memref.load %arg5[%swap3A] : memref<12xf32, #tpu.memory_space<smem>>
      memref.store %select_n3A, %arg5[%swap3A] : memref<12xf32, #tpu.memory_space<smem>>
      %get3A_53 = arith.constant 8 : index
      %get3A_54 = memref.load %arg5[%get3A_53] : memref<12xf32, #tpu.memory_space<smem>>
      %add3A_55 = arith.addf %get3A_54, %reduce_sum3A_48 : f32
      %select_n3A_56 = arith.select %eq3A_2, %reduce_sum3A_48, %add3A_55 : f32
      %swap3A_57 = arith.constant 8 : index
      %swap3A_58 = memref.load %arg5[%swap3A_57] : memref<12xf32, #tpu.memory_space<smem>>
      memref.store %select_n3A_56, %arg5[%swap3A_57] : memref<12xf32, #tpu.memory_space<smem>>
      %eq3A_59 = arith.constant 15 : i32
      %eq3A_60 = arith.cmpi eq, %arg1, %eq3A_59 : i32
      %convert_element_type3A_61 = arith.extui %eq3A_60 : i1 to i32
      %cond3A_62 = arith.constant 0 : i32
      %cond3A_63 = arith.cmpi ne, %convert_element_type3A_61, %cond3A_62 : i32
      scf.if %cond3A_63 {
        %get3A_64 = arith.constant 7 : index
        %get3A_65 = memref.load %arg5[%get3A_64] : memref<12xf32, #tpu.memory_space<smem>>
        %div3A_66 = arith.constant 0x4B000000 : f32
        %div3A_67 = arith.divf %get3A_65, %div3A_66 : f32
        %lt3A = arith.constant 1.000000e-01 : f32
        %lt3A_68 = arith.cmpf olt, %div3A_67, %lt3A : f32
        %jit3A = arith.constant 0.899999976 : f32
        %select_n3A_69 = arith.select %lt3A_68, %jit3A, %div3A_67 : f32
        %get3A_70 = arith.constant 8 : index
        %get3A_71 = memref.load %arg5[%get3A_70] : memref<12xf32, #tpu.memory_space<smem>>
        %div3A_72 = arith.constant 0x4B000000 : f32
        %div3A_73 = arith.divf %get3A_71, %div3A_72 : f32
        %div3A_74 = arith.divf %div3A_73, %select_n3A_69 : f32
        %sqrt3A = math.sqrt %div3A_74 : f32
        %swap3A_75 = arith.constant 0 : index
        %swap3A_76 = memref.load %arg5[%swap3A_75] : memref<12xf32, #tpu.memory_space<smem>>
        memref.store %select_n3A_69, %arg5[%swap3A_75] : memref<12xf32, #tpu.memory_space<smem>>
        %max3A = arith.constant 9.99999974E-5 : f32
        %max3A_77 = arith.maximumf %sqrt3A, %max3A : f32
        %swap3A_78 = arith.constant 1 : index
        %swap3A_79 = memref.load %arg5[%swap3A_78] : memref<12xf32, #tpu.memory_space<smem>>
        memref.store %max3A_77, %arg5[%swap3A_78] : memref<12xf32, #tpu.memory_space<smem>>
        %get3A_80 = arith.constant 9 : index
        %get3A_81 = memref.load %arg5[%get3A_80] : memref<12xf32, #tpu.memory_space<smem>>
        %swap3A_82 = arith.constant 2 : index
        %swap3A_83 = memref.load %arg5[%swap3A_82] : memref<12xf32, #tpu.memory_space<smem>>
        memref.store %get3A_81, %arg5[%swap3A_82] : memref<12xf32, #tpu.memory_space<smem>>
      } else {
      }
    } else {
    }
    %eq3A_11 = arith.constant 4 : i32
    %eq3A_12 = arith.cmpi eq, %arg0, %eq3A_11 : i32
    %convert_element_type3A_13 = arith.extui %eq3A_12 : i1 to i32
    %cond3A_14 = arith.constant 0 : i32
    %cond3A_15 = arith.cmpi ne, %convert_element_type3A_13, %cond3A_14 : i32
    scf.if %cond3A_15 {
      %get3A_16 = arith.constant 0 : index
      %get3A_17 = memref.load %arg5[%get3A_16] : memref<12xf32, #tpu.memory_space<smem>>
      %get3A_18 = arith.constant 1 : index
      %get3A_19 = memref.load %arg5[%get3A_18] : memref<12xf32, #tpu.memory_space<smem>>
      %get3A_20 = arith.constant 2 : index
      %get3A_21 = memref.load %arg5[%get3A_20] : memref<12xf32, #tpu.memory_space<smem>>
      %mul3A = arith.mulf %get3A_19, %get3A_19 : f32
      %div3A = arith.constant 5.000000e-01 : f32
      %div3A_22 = arith.divf %div3A, %mul3A : f32
      %sub3A = arith.constant 1.000000e+00 : f32
      %sub3A_23 = arith.subf %sub3A, %get3A_17 : f32
      %mul3A_24 = arith.mulf %sub3A_23, %get3A_21 : f32
      %mul3A_25 = arith.mulf %mul3A_24, %get3A_19 : f32
      %mul3A_26 = arith.constant 2.50662827 : f32
      %mul3A_27 = arith.mulf %mul3A_25, %mul3A_26 : f32
      %div3A_28 = arith.divf %mul3A_27, %get3A_17 : f32
      %mul3A_29 = arith.mulf %get3A_1, %get3A_1 : vector<8x65536xf32>
      %mul3A_30 = vector.broadcast %div3A_22 : f32 to vector<8x65536xf32>
      %mul3A_31 = arith.mulf %mul3A_29, %mul3A_30 : vector<8x65536xf32>
      %exp3A = math.exp %mul3A_31 : vector<8x65536xf32>
      %mul3A_32 = vector.broadcast %div3A_28 : f32 to vector<8x65536xf32>
      %mul3A_33 = arith.mulf %mul3A_32, %exp3A : vector<8x65536xf32>
      %add3A = arith.constant 1.000000e+00 : f32
      %add3A_34 = vector.broadcast %add3A : f32 to vector<8x65536xf32>
      %add3A_35 = arith.addf %add3A_34, %mul3A_33 : vector<8x65536xf32>
      %div3A_36 = arith.constant 1.000000e+00 : f32
      %div3A_37 = vector.broadcast %div3A_36 : f32 to vector<8x65536xf32>
      %div3A_38 = arith.divf %div3A_37, %add3A_35 : vector<8x65536xf32>
      %swap3A = arith.constant 0 : index
      %swap3A_39 = arith.constant 0 : index
      %swap3A_40 = vector.load %arg3[%swap3A, %swap3A_39] : memref<8x65536xf32, #tpu.memory_space<vmem>>, vector<8x65536xf32>
      tpu.vector_store %arg3[%swap3A, %swap3A_39], %div3A_38 {strides = array<i32>} : memref<8x65536xf32, #tpu.memory_space<vmem>>, vector<8x65536xf32>,
      %sub3A_41 = arith.constant 1.000000e+00 : f32
      %sub3A_42 = vector.broadcast %sub3A_41 : f32 to vector<8x65536xf32>
      %sub3A_43 = arith.subf %sub3A_42, %div3A_38 : vector<8x65536xf32>
      %mul3A_44 = arith.mulf %sub3A_43, %sub3A_43 : vector<8x65536xf32>
      %reduce_sum3A = arith.constant dense<0.000000e+00> : vector<8xf32>
      %reduce_sum3A_45 = vector.multi_reduction <add>, %mul3A_44, %reduce_sum3A [1] : vector<8x65536xf32> to vector<8xf32>
      %broadcast_in_dim3A = vector.shape_cast %reduce_sum3A_45 : vector<8xf32> to vector<8x1xf32>
      %broadcast_in_dim3A_46 = vector.shape_cast %broadcast_in_dim3A : vector<8x1xf32> to vector<8x1xf32>
      %broadcast_in_dim3A_47 = vector.broadcast %broadcast_in_dim3A_46 : vector<8x1xf32> to vector<8x128xf32>
      %broadcast_in_dim3A_48 = vector.shape_cast %broadcast_in_dim3A_47 : vector<8x128xf32> to vector<1x8x128xf32>
      %swap3A_49 = arith.constant 0 : index
      %swap3A_50 = arith.constant 0 : index
      %swap3A_51 = arith.constant 0 : index
      %swap3A_52 = vector.load %arg4[%swap3A_49, %swap3A_50, %swap3A_51] : memref<1x8x128xf32, #tpu.memory_space<vmem>>, vector<1x8x128xf32>
      tpu.vector_store %arg4[%swap3A_49, %swap3A_50, %swap3A_51], %broadcast_in_dim3A_48 {strides = array<i32>} : memref<1x8x128xf32, #tpu.memory_space<vmem>>, vector<1x8x128xf32>,
    } else {
    }
    return
  }
  func.func @transform_0(%arg0: i32, %arg1: i32) -> (i32, i32) {
    %c0_i32 = arith.constant 0 : i32
    %c0_i32_0 = arith.constant 0 : i32
    return %arg1, %c0_i32 : i32, i32
  }
  func.func @transform_1(%arg0: i32, %arg1: i32) -> (i32, i32) {
    %c0_i32 = arith.constant 0 : i32
    %c0_i32_0 = arith.constant 0 : i32
    return %arg1, %c0_i32 : i32, i32
  }
  func.func @transform_2(%arg0: i32, %arg1: i32) -> (i32, i32, i32) {
    %c0_i32 = arith.constant 0 : i32
    %c0_i32_0 = arith.constant 0 : i32
    %c0_i32_1 = arith.constant 0 : i32
    return %arg1, %c0_i32, %c0_i32_0 : i32, i32, i32
  }
}

module attributes {stable_mosaic.version = 14 : i64} {
  func.func @_slice_em_body(%arg0: memref<1x128xf32, #tpu.memory_space<vmem>>, %arg1: memref<1x128xf32, #tpu.memory_space<vmem>>, %arg2: memref<1x128xf32, #tpu.memory_space<vmem>>) attributes {dimension_semantics = [], scalar_prefetch = 0 : i64, scratch_operands = 0 : i64, tpu.core_type = #tpu.core_type<tc>} {
    %get3A = arith.constant 0 : index
    %get3A_0 = arith.constant 0 : index
    %get3A_1 = vector.load %arg0[%get3A, %get3A_0] : memref<1x128xf32, #tpu.memory_space<vmem>>, vector<1x128xf32>
    %div3A = arith.constant 6.553600e+04 : f32
    %div3A_2 = vector.broadcast %div3A : f32 to vector<1x128xf32>
    %div3A_3 = arith.divf %get3A_1, %div3A_2 : vector<1x128xf32>
    %sqrt3A = math.sqrt %div3A_3 : vector<1x128xf32>
    %get3A_4 = arith.constant 0 : index
    %get3A_5 = arith.constant 0 : index
    %get3A_6 = vector.load %arg1[%get3A_4, %get3A_5] : memref<1x128xf32, #tpu.memory_space<vmem>>, vector<1x128xf32>
    %gt3A = arith.constant 2.000000e-01 : f32
    %gt3A_7 = vector.broadcast %gt3A : f32 to vector<1x128xf32>
    %gt3A_8 = arith.cmpf ogt, %get3A_6, %gt3A_7 : vector<1x128xf32>
    %lt3A = arith.constant 5.000000e+00 : f32
    %lt3A_9 = vector.broadcast %lt3A : f32 to vector<1x128xf32>
    %lt3A_10 = arith.cmpf olt, %get3A_6, %lt3A_9 : vector<1x128xf32>
    %and3A = arith.andi %gt3A_8, %lt3A_10 : vector<1x128xi1>
    %convert_element_type3A = arith.extui %and3A : vector<1x128xi1> to vector<1x128xi32>
    %convert_element_type3A_11 = arith.sitofp %convert_element_type3A : vector<1x128xi32> to vector<1x128xf32>
    %reduce_sum3A = vector.shape_cast %convert_element_type3A_11 : vector<1x128xf32> to vector<1x1x128xf32>
    %reduce_sum3A_12 = arith.constant dense<0.000000e+00> : vector<1xf32>
    %reduce_sum3A_13 = vector.multi_reduction <add>, %reduce_sum3A, %reduce_sum3A_12 [1, 2] : vector<1x1x128xf32> to vector<1xf32>
    %reduce_sum3A_14 = vector.shape_cast %reduce_sum3A_13 : vector<1xf32> to vector<1x1x1xf32>
    %reduce_sum3A_15 = vector.extract %reduce_sum3A_14[0, 0, 0] : f32 from vector<1x1x1xf32>
    %eq3A = arith.constant 0.000000e+00 : f32
    %eq3A_16 = arith.cmpf oeq, %reduce_sum3A_15, %eq3A : f32
    %or3A = vector.broadcast %eq3A_16 : i1 to vector<1x128xi1>
    %or3A_17 = arith.ori %and3A, %or3A : vector<1x128xi1>
    %jit3A = arith.constant 1.000000e+00 : f32
    %broadcast_in_dim3A = vector.broadcast %jit3A : f32 to vector<1x128xf32>
    %select_n3A = arith.select %eq3A_16, %broadcast_in_dim3A, %convert_element_type3A_11 : vector<1x128xf32>
    %convert_element_type3A_18 = arith.extui %or3A_17 : vector<1x128xi1> to vector<1x128xi32>
    %convert_element_type3A_19 = arith.sitofp %convert_element_type3A_18 : vector<1x128xi32> to vector<1x128xf32>
    %reduce_sum3A_20 = vector.shape_cast %convert_element_type3A_19 : vector<1x128xf32> to vector<1x1x128xf32>
    %reduce_sum3A_21 = arith.constant dense<0.000000e+00> : vector<1xf32>
    %reduce_sum3A_22 = vector.multi_reduction <add>, %reduce_sum3A_20, %reduce_sum3A_21 [1, 2] : vector<1x1x128xf32> to vector<1xf32>
    %reduce_sum3A_23 = vector.shape_cast %reduce_sum3A_22 : vector<1xf32> to vector<1x1x1xf32>
    %reduce_sum3A_24 = vector.extract %reduce_sum3A_23[0, 0, 0] : f32 from vector<1x1x1xf32>
    %mul3A = arith.mulf %sqrt3A, %select_n3A : vector<1x128xf32>
    %mul3A_25 = arith.mulf %mul3A, %convert_element_type3A_19 : vector<1x128xf32>
    %reduce_sum3A_26 = vector.shape_cast %mul3A_25 : vector<1x128xf32> to vector<1x1x128xf32>
    %reduce_sum3A_27 = arith.constant dense<0.000000e+00> : vector<1xf32>
    %reduce_sum3A_28 = vector.multi_reduction <add>, %reduce_sum3A_26, %reduce_sum3A_27 [1, 2] : vector<1x1x128xf32> to vector<1xf32>
    %reduce_sum3A_29 = vector.shape_cast %reduce_sum3A_28 : vector<1xf32> to vector<1x1x1xf32>
    %reduce_sum3A_30 = vector.extract %reduce_sum3A_29[0, 0, 0] : f32 from vector<1x1x1xf32>
    %sub3A = arith.constant 1.000000e+00 : f32
    %sub3A_31 = vector.broadcast %sub3A : f32 to vector<1x128xf32>
    %sub3A_32 = arith.subf %sub3A_31, %select_n3A : vector<1x128xf32>
    %mul3A_33 = arith.mulf %sqrt3A, %sub3A_32 : vector<1x128xf32>
    %mul3A_34 = arith.mulf %mul3A_33, %convert_element_type3A_19 : vector<1x128xf32>
    %reduce_sum3A_35 = vector.shape_cast %mul3A_34 : vector<1x128xf32> to vector<1x1x128xf32>
    %reduce_sum3A_36 = arith.constant dense<0.000000e+00> : vector<1xf32>
    %reduce_sum3A_37 = vector.multi_reduction <add>, %reduce_sum3A_35, %reduce_sum3A_36 [1, 2] : vector<1x1x128xf32> to vector<1xf32>
    %reduce_sum3A_38 = vector.shape_cast %reduce_sum3A_37 : vector<1xf32> to vector<1x1x1xf32>
    %reduce_sum3A_39 = vector.extract %reduce_sum3A_38[0, 0, 0] : f32 from vector<1x1x1xf32>
    %mul3A_40 = arith.mulf %select_n3A, %convert_element_type3A_19 : vector<1x128xf32>
    %reduce_sum3A_41 = vector.shape_cast %mul3A_40 : vector<1x128xf32> to vector<1x1x128xf32>
    %reduce_sum3A_42 = arith.constant dense<0.000000e+00> : vector<1xf32>
    %reduce_sum3A_43 = vector.multi_reduction <add>, %reduce_sum3A_41, %reduce_sum3A_42 [1, 2] : vector<1x1x128xf32> to vector<1xf32>
    %reduce_sum3A_44 = vector.shape_cast %reduce_sum3A_43 : vector<1xf32> to vector<1x1x1xf32>
    %reduce_sum3A_45 = vector.extract %reduce_sum3A_44[0, 0, 0] : f32 from vector<1x1x1xf32>
    %sub3A_46 = arith.subf %reduce_sum3A_24, %reduce_sum3A_45 : f32
    %jit3A_47 = arith.constant 0x7F800000 : f32
    %broadcast_in_dim3A_48 = vector.broadcast %jit3A_47 : f32 to vector<1x128xf32>
    %select_n3A_49 = arith.select %or3A_17, %sqrt3A, %broadcast_in_dim3A_48 : vector<1x128xi1>, vector<1x128xf32>
    %reduce_min3A = vector.shape_cast %select_n3A_49 : vector<1x128xf32> to vector<1x1x128xf32>
    %reduce_min3A_50 = arith.constant dense<0x7F800000> : vector<1xf32>
    %reduce_min3A_51 = vector.multi_reduction <minimumf>, %reduce_min3A, %reduce_min3A_50 [1, 2] : vector<1x1x128xf32> to vector<1xf32>
    %reduce_min3A_52 = vector.shape_cast %reduce_min3A_51 : vector<1xf32> to vector<1x1x1xf32>
    %reduce_min3A_53 = vector.extract %reduce_min3A_52[0, 0, 0] : f32 from vector<1x1x1xf32>
    %jit3A_54 = arith.constant 0xFF800000 : f32
    %broadcast_in_dim3A_55 = vector.broadcast %jit3A_54 : f32 to vector<1x128xf32>
    %select_n3A_56 = arith.select %or3A_17, %sqrt3A, %broadcast_in_dim3A_55 : vector<1x128xi1>, vector<1x128xf32>
    %reduce_max3A = vector.shape_cast %select_n3A_56 : vector<1x128xf32> to vector<1x1x128xf32>
    %reduce_max3A_57 = arith.constant dense<0xFF800000> : vector<1xf32>
    %reduce_max3A_58 = vector.multi_reduction <maximumf>, %reduce_max3A, %reduce_max3A_57 [1, 2] : vector<1x1x128xf32> to vector<1xf32>
    %reduce_max3A_59 = vector.shape_cast %reduce_max3A_58 : vector<1xf32> to vector<1x1x1xf32>
    %reduce_max3A_60 = vector.extract %reduce_max3A_59[0, 0, 0] : f32 from vector<1x1x1xf32>
    %gt3A_61 = arith.constant 0.000000e+00 : f32
    %gt3A_62 = arith.cmpf ogt, %reduce_sum3A_45, %gt3A_61 : f32
    %gt3A_63 = arith.constant 0.000000e+00 : f32
    %gt3A_64 = arith.cmpf ogt, %reduce_sum3A_45, %gt3A_63 : f32
    %jit3A_65 = arith.constant 1.000000e+00 : f32
    %select_n3A_66 = arith.select %gt3A_64, %reduce_sum3A_45, %jit3A_65 : f32
    %div3A_67 = arith.divf %reduce_sum3A_30, %select_n3A_66 : f32
    %select_n3A_68 = arith.select %gt3A_62, %div3A_67, %reduce_min3A_53 : f32
    %gt3A_69 = arith.constant 0.000000e+00 : f32
    %gt3A_70 = arith.cmpf ogt, %sub3A_46, %gt3A_69 : f32
    %gt3A_71 = arith.constant 0.000000e+00 : f32
    %gt3A_72 = arith.cmpf ogt, %sub3A_46, %gt3A_71 : f32
    %jit3A_73 = arith.constant 1.000000e+00 : f32
    %select_n3A_74 = arith.select %gt3A_72, %sub3A_46, %jit3A_73 : f32
    %div3A_75 = arith.divf %reduce_sum3A_39, %select_n3A_74 : f32
    %add3A = arith.addf %reduce_max3A_60, %select_n3A_68 : f32
    %div3A_76 = arith.constant 2.000000e+00 : f32
    %div3A_77 = arith.divf %add3A, %div3A_76 : f32
    %select_n3A_78 = arith.select %gt3A_70, %div3A_75, %div3A_77 : f32
    %sub3A_79 = vector.broadcast %select_n3A_68 : f32 to vector<1x128xf32>
    %sub3A_80 = arith.subf %sqrt3A, %sub3A_79 : vector<1x128xf32>
    %integer_pow3A = arith.mulf %sub3A_80, %sub3A_80 : vector<1x128xf32>
    %mul3A_81 = arith.mulf %integer_pow3A, %select_n3A : vector<1x128xf32>
    %mul3A_82 = arith.mulf %mul3A_81, %convert_element_type3A_19 : vector<1x128xf32>
    %reduce_sum3A_83 = vector.shape_cast %mul3A_82 : vector<1x128xf32> to vector<1x1x128xf32>
    %reduce_sum3A_84 = arith.constant dense<0.000000e+00> : vector<1xf32>
    %reduce_sum3A_85 = vector.multi_reduction <add>, %reduce_sum3A_83, %reduce_sum3A_84 [1, 2] : vector<1x1x128xf32> to vector<1xf32>
    %reduce_sum3A_86 = vector.shape_cast %reduce_sum3A_85 : vector<1xf32> to vector<1x1x1xf32>
    %reduce_sum3A_87 = vector.extract %reduce_sum3A_86[0, 0, 0] : f32 from vector<1x1x1xf32>
    %sub3A_88 = vector.broadcast %select_n3A_78 : f32 to vector<1x128xf32>
    %sub3A_89 = arith.subf %sqrt3A, %sub3A_88 : vector<1x128xf32>
    %integer_pow3A_90 = arith.mulf %sub3A_89, %sub3A_89 : vector<1x128xf32>
    %mul3A_91 = arith.mulf %integer_pow3A_90, %select_n3A : vector<1x128xf32>
    %mul3A_92 = arith.mulf %mul3A_91, %convert_element_type3A_19 : vector<1x128xf32>
    %reduce_sum3A_93 = vector.shape_cast %mul3A_92 : vector<1x128xf32> to vector<1x1x128xf32>
    %reduce_sum3A_94 = arith.constant dense<0.000000e+00> : vector<1xf32>
    %reduce_sum3A_95 = vector.multi_reduction <add>, %reduce_sum3A_93, %reduce_sum3A_94 [1, 2] : vector<1x1x128xf32> to vector<1xf32>
    %reduce_sum3A_96 = vector.shape_cast %reduce_sum3A_95 : vector<1xf32> to vector<1x1x1xf32>
    %reduce_sum3A_97 = vector.extract %reduce_sum3A_96[0, 0, 0] : f32 from vector<1x1x1xf32>
    %gt3A_98 = arith.constant 0.000000e+00 : f32
    %gt3A_99 = arith.cmpf ogt, %reduce_sum3A_87, %gt3A_98 : f32
    %gt3A_100 = arith.constant 0.000000e+00 : f32
    %gt3A_101 = arith.cmpf ogt, %reduce_sum3A_45, %gt3A_100 : f32
    %and3A_102 = arith.andi %gt3A_99, %gt3A_101 : i1
    %gt3A_103 = arith.constant 0.000000e+00 : f32
    %gt3A_104 = arith.cmpf ogt, %reduce_sum3A_45, %gt3A_103 : f32
    %jit3A_105 = arith.constant 1.000000e+00 : f32
    %select_n3A_106 = arith.select %gt3A_104, %reduce_sum3A_45, %jit3A_105 : f32
    %div3A_107 = arith.divf %reduce_sum3A_87, %select_n3A_106 : f32
    %jit3A_108 = arith.constant 1.000000e+00 : f32
    %select_n3A_109 = arith.select %and3A_102, %div3A_107, %jit3A_108 : f32
    %sqrt3A_110 = math.sqrt %select_n3A_109 : f32
    %jit3A_111 = arith.constant 2.500000e-02 : f32
    %select_n3A_112 = arith.select %and3A_102, %sqrt3A_110, %jit3A_111 : f32
    %max3A = arith.constant 9.99999974E-5 : f32
    %max3A_113 = arith.maximumf %select_n3A_112, %max3A : f32
    %gt3A_114 = arith.constant 0.000000e+00 : f32
    %gt3A_115 = arith.cmpf ogt, %reduce_sum3A_97, %gt3A_114 : f32
    %gt3A_116 = arith.constant 0.000000e+00 : f32
    %gt3A_117 = arith.cmpf ogt, %sub3A_46, %gt3A_116 : f32
    %and3A_118 = arith.andi %gt3A_115, %gt3A_117 : i1
    %gt3A_119 = arith.constant 0.000000e+00 : f32
    %gt3A_120 = arith.cmpf ogt, %sub3A_46, %gt3A_119 : f32
    %jit3A_121 = arith.constant 1.000000e+00 : f32
    %select_n3A_122 = arith.select %gt3A_120, %sub3A_46, %jit3A_121 : f32
    %div3A_123 = arith.divf %reduce_sum3A_97, %select_n3A_122 : f32
    %jit3A_124 = arith.constant 1.000000e+00 : f32
    %select_n3A_125 = arith.select %and3A_118, %div3A_123, %jit3A_124 : f32
    %sqrt3A_126 = math.sqrt %select_n3A_125 : f32
    %sub3A_127 = arith.subf %select_n3A_78, %select_n3A_68 : f32
    %integer_pow3A_128 = arith.mulf %sub3A_127, %sub3A_127 : f32
    %div3A_129 = arith.constant 4.000000e+00 : f32
    %div3A_130 = arith.divf %integer_pow3A_128, %div3A_129 : f32
    %select_n3A_131 = arith.select %and3A_118, %sqrt3A_126, %div3A_130 : f32
    %max3A_132 = arith.constant 9.99999974E-5 : f32
    %max3A_133 = arith.maximumf %select_n3A_131, %max3A_132 : f32
    %sub3A_134 = vector.broadcast %select_n3A_68 : f32 to vector<1x128xf32>
    %sub3A_135 = arith.subf %sqrt3A, %sub3A_134 : vector<1x128xf32>
    %div3A_136 = vector.broadcast %max3A_113 : f32 to vector<1x128xf32>
    %div3A_137 = arith.divf %sub3A_135, %div3A_136 : vector<1x128xf32>
    %mul3A_138 = arith.constant -5.000000e-01 : f32
    %mul3A_139 = vector.broadcast %mul3A_138 : f32 to vector<1x128xf32>
    %mul3A_140 = arith.mulf %mul3A_139, %div3A_137 : vector<1x128xf32>
    %mul3A_141 = arith.mulf %mul3A_140, %div3A_137 : vector<1x128xf32>
    %exp3A = math.exp %mul3A_141 : vector<1x128xf32>
    %mul3A_142 = arith.constant 2.50662827 : f32
    %mul3A_143 = arith.mulf %max3A_113, %mul3A_142 : f32
    %div3A_144 = vector.broadcast %mul3A_143 : f32 to vector<1x128xf32>
    %div3A_145 = arith.divf %exp3A, %div3A_144 : vector<1x128xf32>
    %sub3A_146 = vector.broadcast %select_n3A_78 : f32 to vector<1x128xf32>
    %sub3A_147 = arith.subf %sqrt3A, %sub3A_146 : vector<1x128xf32>
    %div3A_148 = vector.broadcast %max3A_133 : f32 to vector<1x128xf32>
    %div3A_149 = arith.divf %sub3A_147, %div3A_148 : vector<1x128xf32>
    %mul3A_150 = arith.constant -5.000000e-01 : f32
    %mul3A_151 = vector.broadcast %mul3A_150 : f32 to vector<1x128xf32>
    %mul3A_152 = arith.mulf %mul3A_151, %div3A_149 : vector<1x128xf32>
    %mul3A_153 = arith.mulf %mul3A_152, %div3A_149 : vector<1x128xf32>
    %exp3A_154 = math.exp %mul3A_153 : vector<1x128xf32>
    %mul3A_155 = arith.constant 2.50662827 : f32
    %mul3A_156 = arith.mulf %max3A_133, %mul3A_155 : f32
    %div3A_157 = vector.broadcast %mul3A_156 : f32 to vector<1x128xf32>
    %div3A_158 = arith.divf %exp3A_154, %div3A_157 : vector<1x128xf32>
    %mul3A_159 = arith.constant 0.899999976 : f32
    %mul3A_160 = vector.broadcast %mul3A_159 : f32 to vector<1x128xf32>
    %mul3A_161 = arith.mulf %mul3A_160, %div3A_145 : vector<1x128xf32>
    %sub3A_162 = arith.constant 1.000000e+00 : f32
    %sub3A_163 = arith.constant 0.899999976 : f32
    %sub3A_164 = arith.subf %sub3A_162, %sub3A_163 : f32
    %mul3A_165 = vector.broadcast %sub3A_164 : f32 to vector<1x128xf32>
    %mul3A_166 = arith.mulf %mul3A_165, %div3A_158 : vector<1x128xf32>
    %add3A_167 = arith.addf %mul3A_161, %mul3A_166 : vector<1x128xf32>
    %gt3A_168 = arith.constant 0.000000e+00 : f32
    %gt3A_169 = vector.broadcast %gt3A_168 : f32 to vector<1x128xf32>
    %gt3A_170 = arith.cmpf ogt, %add3A_167, %gt3A_169 : vector<1x128xf32>
    %mul3A_171 = arith.constant 0.899999976 : f32
    %mul3A_172 = vector.broadcast %mul3A_171 : f32 to vector<1x128xf32>
    %mul3A_173 = arith.mulf %mul3A_172, %div3A_145 : vector<1x128xf32>
    %gt3A_174 = arith.constant 0.000000e+00 : f32
    %gt3A_175 = vector.broadcast %gt3A_174 : f32 to vector<1x128xf32>
    %gt3A_176 = arith.cmpf ogt, %add3A_167, %gt3A_175 : vector<1x128xf32>
    %jit3A_177 = arith.constant 1.000000e+00 : f32
    %broadcast_in_dim3A_178 = vector.broadcast %jit3A_177 : f32 to vector<1x128xf32>
    %select_n3A_179 = arith.select %gt3A_176, %add3A_167, %broadcast_in_dim3A_178 : vector<1x128xi1>, vector<1x128xf32>
    %div3A_180 = arith.divf %mul3A_173, %select_n3A_179 : vector<1x128xf32>
    %jit3A_181 = arith.constant 0.000000e+00 : f32
    %broadcast_in_dim3A_182 = vector.broadcast %jit3A_181 : f32 to vector<1x128xf32>
    %select_n3A_183 = arith.select %gt3A_170, %div3A_180, %broadcast_in_dim3A_182 : vector<1x128xi1>, vector<1x128xf32>
    %gt3A_184 = arith.constant 0.000000e+00 : f32
    %gt3A_185 = vector.broadcast %gt3A_184 : f32 to vector<1x128xf32>
    %gt3A_186 = arith.cmpf ogt, %select_n3A_183, %gt3A_185 : vector<1x128xf32>
    %not3A = arith.constant dense<true> : vector<1x128xi1>
    %not3A_187 = arith.xori %gt3A_186, %not3A : vector<1x128xi1>
    %jit3A_188 = arith.constant 1.000000e+00 : f32
    %broadcast_in_dim3A_189 = vector.broadcast %jit3A_188 : f32 to vector<1x128xf32>
    %select_n3A_190 = arith.select %not3A_187, %broadcast_in_dim3A_189, %select_n3A_183 : vector<1x128xi1>, vector<1x128xf32>
    %gt3A_191 = vector.broadcast %select_n3A_78 : f32 to vector<1x128xf32>
    %gt3A_192 = arith.cmpf ogt, %sqrt3A, %gt3A_191 : vector<1x128xf32>
    %not3A_193 = arith.constant dense<true> : vector<1x128xi1>
    %not3A_194 = arith.xori %gt3A_186, %not3A_193 : vector<1x128xi1>
    %and3A_195 = arith.andi %gt3A_192, %not3A_194 : vector<1x128xi1>
    %jit3A_196 = arith.constant 0.000000e+00 : f32
    %broadcast_in_dim3A_197 = vector.broadcast %jit3A_196 : f32 to vector<1x128xf32>
    %select_n3A_198 = arith.select %and3A_195, %broadcast_in_dim3A_197, %select_n3A_190 : vector<1x128xi1>, vector<1x128xf32>
    %le3A = arith.constant 0.000000e+00 : f32
    %le3A_199 = arith.cmpf ole, %reduce_sum3A_45, %le3A : f32
    %le3A_200 = arith.cmpf ole, %select_n3A_78, %select_n3A_68 : f32
    %or3A_201 = arith.ori %le3A_199, %le3A_200 : i1
    %jit3A_202 = arith.constant 1.000000e+00 : f32
    %broadcast_in_dim3A_203 = vector.broadcast %jit3A_202 : f32 to vector<1x128xf32>
    %select_n3A_204 = arith.select %or3A_201, %broadcast_in_dim3A_203, %select_n3A_198 : vector<1x128xf32>
    %select_n3A_205 = arith.select %or3A_17, %select_n3A_204, %select_n3A : vector<1x128xi1>, vector<1x128xf32>
    %mul3A_206 = arith.mulf %select_n3A_204, %convert_element_type3A_19 : vector<1x128xf32>
    %reduce_sum3A_207 = vector.shape_cast %mul3A_206 : vector<1x128xf32> to vector<1x1x128xf32>
    %reduce_sum3A_208 = arith.constant dense<0.000000e+00> : vector<1xf32>
    %reduce_sum3A_209 = vector.multi_reduction <add>, %reduce_sum3A_207, %reduce_sum3A_208 [1, 2] : vector<1x1x128xf32> to vector<1xf32>
    %reduce_sum3A_210 = vector.shape_cast %reduce_sum3A_209 : vector<1xf32> to vector<1x1x1xf32>
    %reduce_sum3A_211 = vector.extract %reduce_sum3A_210[0, 0, 0] : f32 from vector<1x1x1xf32>
    %div3A_212 = arith.divf %reduce_sum3A_211, %reduce_sum3A_24 : f32
    %mul3A_213 = arith.mulf %sqrt3A, %select_n3A_205 : vector<1x128xf32>
    %mul3A_214 = arith.mulf %mul3A_213, %convert_element_type3A_19 : vector<1x128xf32>
    %reduce_sum3A_215 = vector.shape_cast %mul3A_214 : vector<1x128xf32> to vector<1x1x128xf32>
    %reduce_sum3A_216 = arith.constant dense<0.000000e+00> : vector<1xf32>
    %reduce_sum3A_217 = vector.multi_reduction <add>, %reduce_sum3A_215, %reduce_sum3A_216 [1, 2] : vector<1x1x128xf32> to vector<1xf32>
    %reduce_sum3A_218 = vector.shape_cast %reduce_sum3A_217 : vector<1xf32> to vector<1x1x1xf32>
    %reduce_sum3A_219 = vector.extract %reduce_sum3A_218[0, 0, 0] : f32 from vector<1x1x1xf32>
    %sub3A_220 = arith.constant 1.000000e+00 : f32
    %sub3A_221 = vector.broadcast %sub3A_220 : f32 to vector<1x128xf32>
    %sub3A_222 = arith.subf %sub3A_221, %select_n3A_205 : vector<1x128xf32>
    %mul3A_223 = arith.mulf %sqrt3A, %sub3A_222 : vector<1x128xf32>
    %mul3A_224 = arith.mulf %mul3A_223, %convert_element_type3A_19 : vector<1x128xf32>
    %reduce_sum3A_225 = vector.shape_cast %mul3A_224 : vector<1x128xf32> to vector<1x1x128xf32>
    %reduce_sum3A_226 = arith.constant dense<0.000000e+00> : vector<1xf32>
    %reduce_sum3A_227 = vector.multi_reduction <add>, %reduce_sum3A_225, %reduce_sum3A_226 [1, 2] : vector<1x1x128xf32> to vector<1xf32>
    %reduce_sum3A_228 = vector.shape_cast %reduce_sum3A_227 : vector<1xf32> to vector<1x1x1xf32>
    %reduce_sum3A_229 = vector.extract %reduce_sum3A_228[0, 0, 0] : f32 from vector<1x1x1xf32>
    %mul3A_230 = arith.mulf %select_n3A_205, %convert_element_type3A_19 : vector<1x128xf32>
    %reduce_sum3A_231 = vector.shape_cast %mul3A_230 : vector<1x128xf32> to vector<1x1x128xf32>
    %reduce_sum3A_232 = arith.constant dense<0.000000e+00> : vector<1xf32>
    %reduce_sum3A_233 = vector.multi_reduction <add>, %reduce_sum3A_231, %reduce_sum3A_232 [1, 2] : vector<1x1x128xf32> to vector<1xf32>
    %reduce_sum3A_234 = vector.shape_cast %reduce_sum3A_233 : vector<1xf32> to vector<1x1x1xf32>
    %reduce_sum3A_235 = vector.extract %reduce_sum3A_234[0, 0, 0] : f32 from vector<1x1x1xf32>
    %sub3A_236 = arith.subf %reduce_sum3A_24, %reduce_sum3A_235 : f32
    %jit3A_237 = arith.constant 0x7F800000 : f32
    %broadcast_in_dim3A_238 = vector.broadcast %jit3A_237 : f32 to vector<1x128xf32>
    %select_n3A_239 = arith.select %or3A_17, %sqrt3A, %broadcast_in_dim3A_238 : vector<1x128xi1>, vector<1x128xf32>
    %reduce_min3A_240 = vector.shape_cast %select_n3A_239 : vector<1x128xf32> to vector<1x1x128xf32>
    %reduce_min3A_241 = arith.constant dense<0x7F800000> : vector<1xf32>
    %reduce_min3A_242 = vector.multi_reduction <minimumf>, %reduce_min3A_240, %reduce_min3A_241 [1, 2] : vector<1x1x128xf32> to vector<1xf32>
    %reduce_min3A_243 = vector.shape_cast %reduce_min3A_242 : vector<1xf32> to vector<1x1x1xf32>
    %reduce_min3A_244 = vector.extract %reduce_min3A_243[0, 0, 0] : f32 from vector<1x1x1xf32>
    %jit3A_245 = arith.constant 0xFF800000 : f32
    %broadcast_in_dim3A_246 = vector.broadcast %jit3A_245 : f32 to vector<1x128xf32>
    %select_n3A_247 = arith.select %or3A_17, %sqrt3A, %broadcast_in_dim3A_246 : vector<1x128xi1>, vector<1x128xf32>
    %reduce_max3A_248 = vector.shape_cast %select_n3A_247 : vector<1x128xf32> to vector<1x1x128xf32>
    %reduce_max3A_249 = arith.constant dense<0xFF800000> : vector<1xf32>
    %reduce_max3A_250 = vector.multi_reduction <maximumf>, %reduce_max3A_248, %reduce_max3A_249 [1, 2] : vector<1x1x128xf32> to vector<1xf32>
    %reduce_max3A_251 = vector.shape_cast %reduce_max3A_250 : vector<1xf32> to vector<1x1x1xf32>
    %reduce_max3A_252 = vector.extract %reduce_max3A_251[0, 0, 0] : f32 from vector<1x1x1xf32>
    %gt3A_253 = arith.constant 0.000000e+00 : f32
    %gt3A_254 = arith.cmpf ogt, %reduce_sum3A_235, %gt3A_253 : f32
    %gt3A_255 = arith.constant 0.000000e+00 : f32
    %gt3A_256 = arith.cmpf ogt, %reduce_sum3A_235, %gt3A_255 : f32
    %jit3A_257 = arith.constant 1.000000e+00 : f32
    %select_n3A_258 = arith.select %gt3A_256, %reduce_sum3A_235, %jit3A_257 : f32
    %div3A_259 = arith.divf %reduce_sum3A_219, %select_n3A_258 : f32
    %select_n3A_260 = arith.select %gt3A_254, %div3A_259, %reduce_min3A_244 : f32
    %gt3A_261 = arith.constant 0.000000e+00 : f32
    %gt3A_262 = arith.cmpf ogt, %sub3A_236, %gt3A_261 : f32
    %gt3A_263 = arith.constant 0.000000e+00 : f32
    %gt3A_264 = arith.cmpf ogt, %sub3A_236, %gt3A_263 : f32
    %jit3A_265 = arith.constant 1.000000e+00 : f32
    %select_n3A_266 = arith.select %gt3A_264, %sub3A_236, %jit3A_265 : f32
    %div3A_267 = arith.divf %reduce_sum3A_229, %select_n3A_266 : f32
    %add3A_268 = arith.addf %reduce_max3A_252, %select_n3A_260 : f32
    %div3A_269 = arith.constant 2.000000e+00 : f32
    %div3A_270 = arith.divf %add3A_268, %div3A_269 : f32
    %select_n3A_271 = arith.select %gt3A_262, %div3A_267, %div3A_270 : f32
    %sub3A_272 = vector.broadcast %select_n3A_260 : f32 to vector<1x128xf32>
    %sub3A_273 = arith.subf %sqrt3A, %sub3A_272 : vector<1x128xf32>
    %integer_pow3A_274 = arith.mulf %sub3A_273, %sub3A_273 : vector<1x128xf32>
    %mul3A_275 = arith.mulf %integer_pow3A_274, %select_n3A_205 : vector<1x128xf32>
    %mul3A_276 = arith.mulf %mul3A_275, %convert_element_type3A_19 : vector<1x128xf32>
    %reduce_sum3A_277 = vector.shape_cast %mul3A_276 : vector<1x128xf32> to vector<1x1x128xf32>
    %reduce_sum3A_278 = arith.constant dense<0.000000e+00> : vector<1xf32>
    %reduce_sum3A_279 = vector.multi_reduction <add>, %reduce_sum3A_277, %reduce_sum3A_278 [1, 2] : vector<1x1x128xf32> to vector<1xf32>
    %reduce_sum3A_280 = vector.shape_cast %reduce_sum3A_279 : vector<1xf32> to vector<1x1x1xf32>
    %reduce_sum3A_281 = vector.extract %reduce_sum3A_280[0, 0, 0] : f32 from vector<1x1x1xf32>
    %sub3A_282 = vector.broadcast %select_n3A_271 : f32 to vector<1x128xf32>
    %sub3A_283 = arith.subf %sqrt3A, %sub3A_282 : vector<1x128xf32>
    %integer_pow3A_284 = arith.mulf %sub3A_283, %sub3A_283 : vector<1x128xf32>
    %mul3A_285 = arith.mulf %integer_pow3A_284, %select_n3A_205 : vector<1x128xf32>
    %mul3A_286 = arith.mulf %mul3A_285, %convert_element_type3A_19 : vector<1x128xf32>
    %reduce_sum3A_287 = vector.shape_cast %mul3A_286 : vector<1x128xf32> to vector<1x1x128xf32>
    %reduce_sum3A_288 = arith.constant dense<0.000000e+00> : vector<1xf32>
    %reduce_sum3A_289 = vector.multi_reduction <add>, %reduce_sum3A_287, %reduce_sum3A_288 [1, 2] : vector<1x1x128xf32> to vector<1xf32>
    %reduce_sum3A_290 = vector.shape_cast %reduce_sum3A_289 : vector<1xf32> to vector<1x1x1xf32>
    %reduce_sum3A_291 = vector.extract %reduce_sum3A_290[0, 0, 0] : f32 from vector<1x1x1xf32>
    %gt3A_292 = arith.constant 0.000000e+00 : f32
    %gt3A_293 = arith.cmpf ogt, %reduce_sum3A_281, %gt3A_292 : f32
    %gt3A_294 = arith.constant 0.000000e+00 : f32
    %gt3A_295 = arith.cmpf ogt, %reduce_sum3A_235, %gt3A_294 : f32
    %and3A_296 = arith.andi %gt3A_293, %gt3A_295 : i1
    %gt3A_297 = arith.constant 0.000000e+00 : f32
    %gt3A_298 = arith.cmpf ogt, %reduce_sum3A_235, %gt3A_297 : f32
    %jit3A_299 = arith.constant 1.000000e+00 : f32
    %select_n3A_300 = arith.select %gt3A_298, %reduce_sum3A_235, %jit3A_299 : f32
    %div3A_301 = arith.divf %reduce_sum3A_281, %select_n3A_300 : f32
    %jit3A_302 = arith.constant 1.000000e+00 : f32
    %select_n3A_303 = arith.select %and3A_296, %div3A_301, %jit3A_302 : f32
    %sqrt3A_304 = math.sqrt %select_n3A_303 : f32
    %jit3A_305 = arith.constant 2.500000e-02 : f32
    %select_n3A_306 = arith.select %and3A_296, %sqrt3A_304, %jit3A_305 : f32
    %max3A_307 = arith.constant 9.99999974E-5 : f32
    %max3A_308 = arith.maximumf %select_n3A_306, %max3A_307 : f32
    %gt3A_309 = arith.constant 0.000000e+00 : f32
    %gt3A_310 = arith.cmpf ogt, %reduce_sum3A_291, %gt3A_309 : f32
    %gt3A_311 = arith.constant 0.000000e+00 : f32
    %gt3A_312 = arith.cmpf ogt, %sub3A_236, %gt3A_311 : f32
    %and3A_313 = arith.andi %gt3A_310, %gt3A_312 : i1
    %gt3A_314 = arith.constant 0.000000e+00 : f32
    %gt3A_315 = arith.cmpf ogt, %sub3A_236, %gt3A_314 : f32
    %jit3A_316 = arith.constant 1.000000e+00 : f32
    %select_n3A_317 = arith.select %gt3A_315, %sub3A_236, %jit3A_316 : f32
    %div3A_318 = arith.divf %reduce_sum3A_291, %select_n3A_317 : f32
    %jit3A_319 = arith.constant 1.000000e+00 : f32
    %select_n3A_320 = arith.select %and3A_313, %div3A_318, %jit3A_319 : f32
    %sqrt3A_321 = math.sqrt %select_n3A_320 : f32
    %sub3A_322 = arith.subf %select_n3A_271, %select_n3A_260 : f32
    %integer_pow3A_323 = arith.mulf %sub3A_322, %sub3A_322 : f32
    %div3A_324 = arith.constant 4.000000e+00 : f32
    %div3A_325 = arith.divf %integer_pow3A_323, %div3A_324 : f32
    %select_n3A_326 = arith.select %and3A_313, %sqrt3A_321, %div3A_325 : f32
    %max3A_327 = arith.constant 9.99999974E-5 : f32
    %max3A_328 = arith.maximumf %select_n3A_326, %max3A_327 : f32
    %sub3A_329 = vector.broadcast %select_n3A_260 : f32 to vector<1x128xf32>
    %sub3A_330 = arith.subf %sqrt3A, %sub3A_329 : vector<1x128xf32>
    %div3A_331 = vector.broadcast %max3A_308 : f32 to vector<1x128xf32>
    %div3A_332 = arith.divf %sub3A_330, %div3A_331 : vector<1x128xf32>
    %mul3A_333 = arith.constant -5.000000e-01 : f32
    %mul3A_334 = vector.broadcast %mul3A_333 : f32 to vector<1x128xf32>
    %mul3A_335 = arith.mulf %mul3A_334, %div3A_332 : vector<1x128xf32>
    %mul3A_336 = arith.mulf %mul3A_335, %div3A_332 : vector<1x128xf32>
    %exp3A_337 = math.exp %mul3A_336 : vector<1x128xf32>
    %mul3A_338 = arith.constant 2.50662827 : f32
    %mul3A_339 = arith.mulf %max3A_308, %mul3A_338 : f32
    %div3A_340 = vector.broadcast %mul3A_339 : f32 to vector<1x128xf32>
    %div3A_341 = arith.divf %exp3A_337, %div3A_340 : vector<1x128xf32>
    %sub3A_342 = vector.broadcast %select_n3A_271 : f32 to vector<1x128xf32>
    %sub3A_343 = arith.subf %sqrt3A, %sub3A_342 : vector<1x128xf32>
    %div3A_344 = vector.broadcast %max3A_328 : f32 to vector<1x128xf32>
    %div3A_345 = arith.divf %sub3A_343, %div3A_344 : vector<1x128xf32>
    %mul3A_346 = arith.constant -5.000000e-01 : f32
    %mul3A_347 = vector.broadcast %mul3A_346 : f32 to vector<1x128xf32>
    %mul3A_348 = arith.mulf %mul3A_347, %div3A_345 : vector<1x128xf32>
    %mul3A_349 = arith.mulf %mul3A_348, %div3A_345 : vector<1x128xf32>
    %exp3A_350 = math.exp %mul3A_349 : vector<1x128xf32>
    %mul3A_351 = arith.constant 2.50662827 : f32
    %mul3A_352 = arith.mulf %max3A_328, %mul3A_351 : f32
    %div3A_353 = vector.broadcast %mul3A_352 : f32 to vector<1x128xf32>
    %div3A_354 = arith.divf %exp3A_350, %div3A_353 : vector<1x128xf32>
    %mul3A_355 = vector.broadcast %div3A_212 : f32 to vector<1x128xf32>
    %mul3A_356 = arith.mulf %mul3A_355, %div3A_341 : vector<1x128xf32>
    %sub3A_357 = arith.constant 1.000000e+00 : f32
    %sub3A_358 = arith.subf %sub3A_357, %div3A_212 : f32
    %mul3A_359 = vector.broadcast %sub3A_358 : f32 to vector<1x128xf32>
    %mul3A_360 = arith.mulf %mul3A_359, %div3A_354 : vector<1x128xf32>
    %add3A_361 = arith.addf %mul3A_356, %mul3A_360 : vector<1x128xf32>
    %gt3A_362 = arith.constant 0.000000e+00 : f32
    %gt3A_363 = vector.broadcast %gt3A_362 : f32 to vector<1x128xf32>
    %gt3A_364 = arith.cmpf ogt, %add3A_361, %gt3A_363 : vector<1x128xf32>
    %mul3A_365 = vector.broadcast %div3A_212 : f32 to vector<1x128xf32>
    %mul3A_366 = arith.mulf %mul3A_365, %div3A_341 : vector<1x128xf32>
    %gt3A_367 = arith.constant 0.000000e+00 : f32
    %gt3A_368 = vector.broadcast %gt3A_367 : f32 to vector<1x128xf32>
    %gt3A_369 = arith.cmpf ogt, %add3A_361, %gt3A_368 : vector<1x128xf32>
    %jit3A_370 = arith.constant 1.000000e+00 : f32
    %broadcast_in_dim3A_371 = vector.broadcast %jit3A_370 : f32 to vector<1x128xf32>
    %select_n3A_372 = arith.select %gt3A_369, %add3A_361, %broadcast_in_dim3A_371 : vector<1x128xi1>, vector<1x128xf32>
    %div3A_373 = arith.divf %mul3A_366, %select_n3A_372 : vector<1x128xf32>
    %jit3A_374 = arith.constant 0.000000e+00 : f32
    %broadcast_in_dim3A_375 = vector.broadcast %jit3A_374 : f32 to vector<1x128xf32>
    %select_n3A_376 = arith.select %gt3A_364, %div3A_373, %broadcast_in_dim3A_375 : vector<1x128xi1>, vector<1x128xf32>
    %gt3A_377 = arith.constant 0.000000e+00 : f32
    %gt3A_378 = vector.broadcast %gt3A_377 : f32 to vector<1x128xf32>
    %gt3A_379 = arith.cmpf ogt, %select_n3A_376, %gt3A_378 : vector<1x128xf32>
    %not3A_380 = arith.constant dense<true> : vector<1x128xi1>
    %not3A_381 = arith.xori %gt3A_379, %not3A_380 : vector<1x128xi1>
    %jit3A_382 = arith.constant 1.000000e+00 : f32
    %broadcast_in_dim3A_383 = vector.broadcast %jit3A_382 : f32 to vector<1x128xf32>
    %select_n3A_384 = arith.select %not3A_381, %broadcast_in_dim3A_383, %select_n3A_376 : vector<1x128xi1>, vector<1x128xf32>
    %gt3A_385 = vector.broadcast %select_n3A_271 : f32 to vector<1x128xf32>
    %gt3A_386 = arith.cmpf ogt, %sqrt3A, %gt3A_385 : vector<1x128xf32>
    %not3A_387 = arith.constant dense<true> : vector<1x128xi1>
    %not3A_388 = arith.xori %gt3A_379, %not3A_387 : vector<1x128xi1>
    %and3A_389 = arith.andi %gt3A_386, %not3A_388 : vector<1x128xi1>
    %jit3A_390 = arith.constant 0.000000e+00 : f32
    %broadcast_in_dim3A_391 = vector.broadcast %jit3A_390 : f32 to vector<1x128xf32>
    %select_n3A_392 = arith.select %and3A_389, %broadcast_in_dim3A_391, %select_n3A_384 : vector<1x128xi1>, vector<1x128xf32>
    %le3A_393 = arith.constant 0.000000e+00 : f32
    %le3A_394 = arith.cmpf ole, %reduce_sum3A_235, %le3A_393 : f32
    %le3A_395 = arith.cmpf ole, %select_n3A_271, %select_n3A_260 : f32
    %or3A_396 = arith.ori %le3A_394, %le3A_395 : i1
    %jit3A_397 = arith.constant 1.000000e+00 : f32
    %broadcast_in_dim3A_398 = vector.broadcast %jit3A_397 : f32 to vector<1x128xf32>
    %select_n3A_399 = arith.select %or3A_396, %broadcast_in_dim3A_398, %select_n3A_392 : vector<1x128xf32>
    %select_n3A_400 = arith.select %or3A_17, %select_n3A_399, %select_n3A_205 : vector<1x128xi1>, vector<1x128xf32>
    %mul3A_401 = arith.mulf %select_n3A_399, %convert_element_type3A_19 : vector<1x128xf32>
    %reduce_sum3A_402 = vector.shape_cast %mul3A_401 : vector<1x128xf32> to vector<1x1x128xf32>
    %reduce_sum3A_403 = arith.constant dense<0.000000e+00> : vector<1xf32>
    %reduce_sum3A_404 = vector.multi_reduction <add>, %reduce_sum3A_402, %reduce_sum3A_403 [1, 2] : vector<1x1x128xf32> to vector<1xf32>
    %reduce_sum3A_405 = vector.shape_cast %reduce_sum3A_404 : vector<1xf32> to vector<1x1x1xf32>
    %reduce_sum3A_406 = vector.extract %reduce_sum3A_405[0, 0, 0] : f32 from vector<1x1x1xf32>
    %div3A_407 = arith.divf %reduce_sum3A_406, %reduce_sum3A_24 : f32
    %mul3A_408 = arith.mulf %sqrt3A, %select_n3A_400 : vector<1x128xf32>
    %mul3A_409 = arith.mulf %mul3A_408, %convert_element_type3A_19 : vector<1x128xf32>
    %reduce_sum3A_410 = vector.shape_cast %mul3A_409 : vector<1x128xf32> to vector<1x1x128xf32>
    %reduce_sum3A_411 = arith.constant dense<0.000000e+00> : vector<1xf32>
    %reduce_sum3A_412 = vector.multi_reduction <add>, %reduce_sum3A_410, %reduce_sum3A_411 [1, 2] : vector<1x1x128xf32> to vector<1xf32>
    %reduce_sum3A_413 = vector.shape_cast %reduce_sum3A_412 : vector<1xf32> to vector<1x1x1xf32>
    %reduce_sum3A_414 = vector.extract %reduce_sum3A_413[0, 0, 0] : f32 from vector<1x1x1xf32>
    %sub3A_415 = arith.constant 1.000000e+00 : f32
    %sub3A_416 = vector.broadcast %sub3A_415 : f32 to vector<1x128xf32>
    %sub3A_417 = arith.subf %sub3A_416, %select_n3A_400 : vector<1x128xf32>
    %mul3A_418 = arith.mulf %sqrt3A, %sub3A_417 : vector<1x128xf32>
    %mul3A_419 = arith.mulf %mul3A_418, %convert_element_type3A_19 : vector<1x128xf32>
    %reduce_sum3A_420 = vector.shape_cast %mul3A_419 : vector<1x128xf32> to vector<1x1x128xf32>
    %reduce_sum3A_421 = arith.constant dense<0.000000e+00> : vector<1xf32>
    %reduce_sum3A_422 = vector.multi_reduction <add>, %reduce_sum3A_420, %reduce_sum3A_421 [1, 2] : vector<1x1x128xf32> to vector<1xf32>
    %reduce_sum3A_423 = vector.shape_cast %reduce_sum3A_422 : vector<1xf32> to vector<1x1x1xf32>
    %reduce_sum3A_424 = vector.extract %reduce_sum3A_423[0, 0, 0] : f32 from vector<1x1x1xf32>
    %mul3A_425 = arith.mulf %select_n3A_400, %convert_element_type3A_19 : vector<1x128xf32>
    %reduce_sum3A_426 = vector.shape_cast %mul3A_425 : vector<1x128xf32> to vector<1x1x128xf32>
    %reduce_sum3A_427 = arith.constant dense<0.000000e+00> : vector<1xf32>
    %reduce_sum3A_428 = vector.multi_reduction <add>, %reduce_sum3A_426, %reduce_sum3A_427 [1, 2] : vector<1x1x128xf32> to vector<1xf32>
    %reduce_sum3A_429 = vector.shape_cast %reduce_sum3A_428 : vector<1xf32> to vector<1x1x1xf32>
    %reduce_sum3A_430 = vector.extract %reduce_sum3A_429[0, 0, 0] : f32 from vector<1x1x1xf32>
    %sub3A_431 = arith.subf %reduce_sum3A_24, %reduce_sum3A_430 : f32
    %jit3A_432 = arith.constant 0x7F800000 : f32
    %broadcast_in_dim3A_433 = vector.broadcast %jit3A_432 : f32 to vector<1x128xf32>
    %select_n3A_434 = arith.select %or3A_17, %sqrt3A, %broadcast_in_dim3A_433 : vector<1x128xi1>, vector<1x128xf32>
    %reduce_min3A_435 = vector.shape_cast %select_n3A_434 : vector<1x128xf32> to vector<1x1x128xf32>
    %reduce_min3A_436 = arith.constant dense<0x7F800000> : vector<1xf32>
    %reduce_min3A_437 = vector.multi_reduction <minimumf>, %reduce_min3A_435, %reduce_min3A_436 [1, 2] : vector<1x1x128xf32> to vector<1xf32>
    %reduce_min3A_438 = vector.shape_cast %reduce_min3A_437 : vector<1xf32> to vector<1x1x1xf32>
    %reduce_min3A_439 = vector.extract %reduce_min3A_438[0, 0, 0] : f32 from vector<1x1x1xf32>
    %jit3A_440 = arith.constant 0xFF800000 : f32
    %broadcast_in_dim3A_441 = vector.broadcast %jit3A_440 : f32 to vector<1x128xf32>
    %select_n3A_442 = arith.select %or3A_17, %sqrt3A, %broadcast_in_dim3A_441 : vector<1x128xi1>, vector<1x128xf32>
    %reduce_max3A_443 = vector.shape_cast %select_n3A_442 : vector<1x128xf32> to vector<1x1x128xf32>
    %reduce_max3A_444 = arith.constant dense<0xFF800000> : vector<1xf32>
    %reduce_max3A_445 = vector.multi_reduction <maximumf>, %reduce_max3A_443, %reduce_max3A_444 [1, 2] : vector<1x1x128xf32> to vector<1xf32>
    %reduce_max3A_446 = vector.shape_cast %reduce_max3A_445 : vector<1xf32> to vector<1x1x1xf32>
    %reduce_max3A_447 = vector.extract %reduce_max3A_446[0, 0, 0] : f32 from vector<1x1x1xf32>
    %gt3A_448 = arith.constant 0.000000e+00 : f32
    %gt3A_449 = arith.cmpf ogt, %reduce_sum3A_430, %gt3A_448 : f32
    %gt3A_450 = arith.constant 0.000000e+00 : f32
    %gt3A_451 = arith.cmpf ogt, %reduce_sum3A_430, %gt3A_450 : f32
    %jit3A_452 = arith.constant 1.000000e+00 : f32
    %select_n3A_453 = arith.select %gt3A_451, %reduce_sum3A_430, %jit3A_452 : f32
    %div3A_454 = arith.divf %reduce_sum3A_414, %select_n3A_453 : f32
    %select_n3A_455 = arith.select %gt3A_449, %div3A_454, %reduce_min3A_439 : f32
    %gt3A_456 = arith.constant 0.000000e+00 : f32
    %gt3A_457 = arith.cmpf ogt, %sub3A_431, %gt3A_456 : f32
    %gt3A_458 = arith.constant 0.000000e+00 : f32
    %gt3A_459 = arith.cmpf ogt, %sub3A_431, %gt3A_458 : f32
    %jit3A_460 = arith.constant 1.000000e+00 : f32
    %select_n3A_461 = arith.select %gt3A_459, %sub3A_431, %jit3A_460 : f32
    %div3A_462 = arith.divf %reduce_sum3A_424, %select_n3A_461 : f32
    %add3A_463 = arith.addf %reduce_max3A_447, %select_n3A_455 : f32
    %div3A_464 = arith.constant 2.000000e+00 : f32
    %div3A_465 = arith.divf %add3A_463, %div3A_464 : f32
    %select_n3A_466 = arith.select %gt3A_457, %div3A_462, %div3A_465 : f32
    %sub3A_467 = vector.broadcast %select_n3A_455 : f32 to vector<1x128xf32>
    %sub3A_468 = arith.subf %sqrt3A, %sub3A_467 : vector<1x128xf32>
    %integer_pow3A_469 = arith.mulf %sub3A_468, %sub3A_468 : vector<1x128xf32>
    %mul3A_470 = arith.mulf %integer_pow3A_469, %select_n3A_400 : vector<1x128xf32>
    %mul3A_471 = arith.mulf %mul3A_470, %convert_element_type3A_19 : vector<1x128xf32>
    %reduce_sum3A_472 = vector.shape_cast %mul3A_471 : vector<1x128xf32> to vector<1x1x128xf32>
    %reduce_sum3A_473 = arith.constant dense<0.000000e+00> : vector<1xf32>
    %reduce_sum3A_474 = vector.multi_reduction <add>, %reduce_sum3A_472, %reduce_sum3A_473 [1, 2] : vector<1x1x128xf32> to vector<1xf32>
    %reduce_sum3A_475 = vector.shape_cast %reduce_sum3A_474 : vector<1xf32> to vector<1x1x1xf32>
    %reduce_sum3A_476 = vector.extract %reduce_sum3A_475[0, 0, 0] : f32 from vector<1x1x1xf32>
    %sub3A_477 = vector.broadcast %select_n3A_466 : f32 to vector<1x128xf32>
    %sub3A_478 = arith.subf %sqrt3A, %sub3A_477 : vector<1x128xf32>
    %integer_pow3A_479 = arith.mulf %sub3A_478, %sub3A_478 : vector<1x128xf32>
    %mul3A_480 = arith.mulf %integer_pow3A_479, %select_n3A_400 : vector<1x128xf32>
    %mul3A_481 = arith.mulf %mul3A_480, %convert_element_type3A_19 : vector<1x128xf32>
    %reduce_sum3A_482 = vector.shape_cast %mul3A_481 : vector<1x128xf32> to vector<1x1x128xf32>
    %reduce_sum3A_483 = arith.constant dense<0.000000e+00> : vector<1xf32>
    %reduce_sum3A_484 = vector.multi_reduction <add>, %reduce_sum3A_482, %reduce_sum3A_483 [1, 2] : vector<1x1x128xf32> to vector<1xf32>
    %reduce_sum3A_485 = vector.shape_cast %reduce_sum3A_484 : vector<1xf32> to vector<1x1x1xf32>
    %reduce_sum3A_486 = vector.extract %reduce_sum3A_485[0, 0, 0] : f32 from vector<1x1x1xf32>
    %gt3A_487 = arith.constant 0.000000e+00 : f32
    %gt3A_488 = arith.cmpf ogt, %reduce_sum3A_476, %gt3A_487 : f32
    %gt3A_489 = arith.constant 0.000000e+00 : f32
    %gt3A_490 = arith.cmpf ogt, %reduce_sum3A_430, %gt3A_489 : f32
    %and3A_491 = arith.andi %gt3A_488, %gt3A_490 : i1
    %gt3A_492 = arith.constant 0.000000e+00 : f32
    %gt3A_493 = arith.cmpf ogt, %reduce_sum3A_430, %gt3A_492 : f32
    %jit3A_494 = arith.constant 1.000000e+00 : f32
    %select_n3A_495 = arith.select %gt3A_493, %reduce_sum3A_430, %jit3A_494 : f32
    %div3A_496 = arith.divf %reduce_sum3A_476, %select_n3A_495 : f32
    %jit3A_497 = arith.constant 1.000000e+00 : f32
    %select_n3A_498 = arith.select %and3A_491, %div3A_496, %jit3A_497 : f32
    %sqrt3A_499 = math.sqrt %select_n3A_498 : f32
    %jit3A_500 = arith.constant 2.500000e-02 : f32
    %select_n3A_501 = arith.select %and3A_491, %sqrt3A_499, %jit3A_500 : f32
    %max3A_502 = arith.constant 9.99999974E-5 : f32
    %max3A_503 = arith.maximumf %select_n3A_501, %max3A_502 : f32
    %gt3A_504 = arith.constant 0.000000e+00 : f32
    %gt3A_505 = arith.cmpf ogt, %reduce_sum3A_486, %gt3A_504 : f32
    %gt3A_506 = arith.constant 0.000000e+00 : f32
    %gt3A_507 = arith.cmpf ogt, %sub3A_431, %gt3A_506 : f32
    %and3A_508 = arith.andi %gt3A_505, %gt3A_507 : i1
    %gt3A_509 = arith.constant 0.000000e+00 : f32
    %gt3A_510 = arith.cmpf ogt, %sub3A_431, %gt3A_509 : f32
    %jit3A_511 = arith.constant 1.000000e+00 : f32
    %select_n3A_512 = arith.select %gt3A_510, %sub3A_431, %jit3A_511 : f32
    %div3A_513 = arith.divf %reduce_sum3A_486, %select_n3A_512 : f32
    %jit3A_514 = arith.constant 1.000000e+00 : f32
    %select_n3A_515 = arith.select %and3A_508, %div3A_513, %jit3A_514 : f32
    %sqrt3A_516 = math.sqrt %select_n3A_515 : f32
    %sub3A_517 = arith.subf %select_n3A_466, %select_n3A_455 : f32
    %integer_pow3A_518 = arith.mulf %sub3A_517, %sub3A_517 : f32
    %div3A_519 = arith.constant 4.000000e+00 : f32
    %div3A_520 = arith.divf %integer_pow3A_518, %div3A_519 : f32
    %select_n3A_521 = arith.select %and3A_508, %sqrt3A_516, %div3A_520 : f32
    %max3A_522 = arith.constant 9.99999974E-5 : f32
    %max3A_523 = arith.maximumf %select_n3A_521, %max3A_522 : f32
    %sub3A_524 = vector.broadcast %select_n3A_455 : f32 to vector<1x128xf32>
    %sub3A_525 = arith.subf %sqrt3A, %sub3A_524 : vector<1x128xf32>
    %div3A_526 = vector.broadcast %max3A_503 : f32 to vector<1x128xf32>
    %div3A_527 = arith.divf %sub3A_525, %div3A_526 : vector<1x128xf32>
    %mul3A_528 = arith.constant -5.000000e-01 : f32
    %mul3A_529 = vector.broadcast %mul3A_528 : f32 to vector<1x128xf32>
    %mul3A_530 = arith.mulf %mul3A_529, %div3A_527 : vector<1x128xf32>
    %mul3A_531 = arith.mulf %mul3A_530, %div3A_527 : vector<1x128xf32>
    %exp3A_532 = math.exp %mul3A_531 : vector<1x128xf32>
    %mul3A_533 = arith.constant 2.50662827 : f32
    %mul3A_534 = arith.mulf %max3A_503, %mul3A_533 : f32
    %div3A_535 = vector.broadcast %mul3A_534 : f32 to vector<1x128xf32>
    %div3A_536 = arith.divf %exp3A_532, %div3A_535 : vector<1x128xf32>
    %sub3A_537 = vector.broadcast %select_n3A_466 : f32 to vector<1x128xf32>
    %sub3A_538 = arith.subf %sqrt3A, %sub3A_537 : vector<1x128xf32>
    %div3A_539 = vector.broadcast %max3A_523 : f32 to vector<1x128xf32>
    %div3A_540 = arith.divf %sub3A_538, %div3A_539 : vector<1x128xf32>
    %mul3A_541 = arith.constant -5.000000e-01 : f32
    %mul3A_542 = vector.broadcast %mul3A_541 : f32 to vector<1x128xf32>
    %mul3A_543 = arith.mulf %mul3A_542, %div3A_540 : vector<1x128xf32>
    %mul3A_544 = arith.mulf %mul3A_543, %div3A_540 : vector<1x128xf32>
    %exp3A_545 = math.exp %mul3A_544 : vector<1x128xf32>
    %mul3A_546 = arith.constant 2.50662827 : f32
    %mul3A_547 = arith.mulf %max3A_523, %mul3A_546 : f32
    %div3A_548 = vector.broadcast %mul3A_547 : f32 to vector<1x128xf32>
    %div3A_549 = arith.divf %exp3A_545, %div3A_548 : vector<1x128xf32>
    %mul3A_550 = vector.broadcast %div3A_407 : f32 to vector<1x128xf32>
    %mul3A_551 = arith.mulf %mul3A_550, %div3A_536 : vector<1x128xf32>
    %sub3A_552 = arith.constant 1.000000e+00 : f32
    %sub3A_553 = arith.subf %sub3A_552, %div3A_407 : f32
    %mul3A_554 = vector.broadcast %sub3A_553 : f32 to vector<1x128xf32>
    %mul3A_555 = arith.mulf %mul3A_554, %div3A_549 : vector<1x128xf32>
    %add3A_556 = arith.addf %mul3A_551, %mul3A_555 : vector<1x128xf32>
    %gt3A_557 = arith.constant 0.000000e+00 : f32
    %gt3A_558 = vector.broadcast %gt3A_557 : f32 to vector<1x128xf32>
    %gt3A_559 = arith.cmpf ogt, %add3A_556, %gt3A_558 : vector<1x128xf32>
    %mul3A_560 = vector.broadcast %div3A_407 : f32 to vector<1x128xf32>
    %mul3A_561 = arith.mulf %mul3A_560, %div3A_536 : vector<1x128xf32>
    %gt3A_562 = arith.constant 0.000000e+00 : f32
    %gt3A_563 = vector.broadcast %gt3A_562 : f32 to vector<1x128xf32>
    %gt3A_564 = arith.cmpf ogt, %add3A_556, %gt3A_563 : vector<1x128xf32>
    %jit3A_565 = arith.constant 1.000000e+00 : f32
    %broadcast_in_dim3A_566 = vector.broadcast %jit3A_565 : f32 to vector<1x128xf32>
    %select_n3A_567 = arith.select %gt3A_564, %add3A_556, %broadcast_in_dim3A_566 : vector<1x128xi1>, vector<1x128xf32>
    %div3A_568 = arith.divf %mul3A_561, %select_n3A_567 : vector<1x128xf32>
    %jit3A_569 = arith.constant 0.000000e+00 : f32
    %broadcast_in_dim3A_570 = vector.broadcast %jit3A_569 : f32 to vector<1x128xf32>
    %select_n3A_571 = arith.select %gt3A_559, %div3A_568, %broadcast_in_dim3A_570 : vector<1x128xi1>, vector<1x128xf32>
    %gt3A_572 = arith.constant 0.000000e+00 : f32
    %gt3A_573 = vector.broadcast %gt3A_572 : f32 to vector<1x128xf32>
    %gt3A_574 = arith.cmpf ogt, %select_n3A_571, %gt3A_573 : vector<1x128xf32>
    %not3A_575 = arith.constant dense<true> : vector<1x128xi1>
    %not3A_576 = arith.xori %gt3A_574, %not3A_575 : vector<1x128xi1>
    %jit3A_577 = arith.constant 1.000000e+00 : f32
    %broadcast_in_dim3A_578 = vector.broadcast %jit3A_577 : f32 to vector<1x128xf32>
    %select_n3A_579 = arith.select %not3A_576, %broadcast_in_dim3A_578, %select_n3A_571 : vector<1x128xi1>, vector<1x128xf32>
    %gt3A_580 = vector.broadcast %select_n3A_466 : f32 to vector<1x128xf32>
    %gt3A_581 = arith.cmpf ogt, %sqrt3A, %gt3A_580 : vector<1x128xf32>
    %not3A_582 = arith.constant dense<true> : vector<1x128xi1>
    %not3A_583 = arith.xori %gt3A_574, %not3A_582 : vector<1x128xi1>
    %and3A_584 = arith.andi %gt3A_581, %not3A_583 : vector<1x128xi1>
    %jit3A_585 = arith.constant 0.000000e+00 : f32
    %broadcast_in_dim3A_586 = vector.broadcast %jit3A_585 : f32 to vector<1x128xf32>
    %select_n3A_587 = arith.select %and3A_584, %broadcast_in_dim3A_586, %select_n3A_579 : vector<1x128xi1>, vector<1x128xf32>
    %le3A_588 = arith.constant 0.000000e+00 : f32
    %le3A_589 = arith.cmpf ole, %reduce_sum3A_430, %le3A_588 : f32
    %le3A_590 = arith.cmpf ole, %select_n3A_466, %select_n3A_455 : f32
    %or3A_591 = arith.ori %le3A_589, %le3A_590 : i1
    %jit3A_592 = arith.constant 1.000000e+00 : f32
    %broadcast_in_dim3A_593 = vector.broadcast %jit3A_592 : f32 to vector<1x128xf32>
    %select_n3A_594 = arith.select %or3A_591, %broadcast_in_dim3A_593, %select_n3A_587 : vector<1x128xf32>
    %select_n3A_595 = arith.select %or3A_17, %select_n3A_594, %select_n3A_400 : vector<1x128xi1>, vector<1x128xf32>
    %swap3A = arith.constant 0 : index
    %swap3A_596 = arith.constant 0 : index
    %swap3A_597 = vector.load %arg2[%swap3A, %swap3A_596] : memref<1x128xf32, #tpu.memory_space<vmem>>, vector<1x128xf32>
    tpu.vector_store %arg2[%swap3A, %swap3A_596], %select_n3A_595 {strides = array<i32>} : memref<1x128xf32, #tpu.memory_space<vmem>>, vector<1x128xf32>,
    return
  }
}

</mosaic_0001>

<sc_bundles>
// kernel: sparse-core-data-format-call.1.cloned.1.call-start
scs
called_computation.1_lowered:
.L_overlay_start_0:
0x0: {  	s2 =	sld [smem:$0x3FD9]  }
0x1: {  	s3 =	sld [smem:$0x3FFE];
	_ =	sdelay $0x1  }
0x2: {  	s1 =	srdreg.scid  }
0x3: {  	s0 =	sand.u32 $0x1, s1  }
0x4: {  	s16 =	sshll.u32 s0, $0xA;
	s2 =	sadd.s32 s3, s2  }
0x5: {  	s2 =	sadd.s32 s2, s16  }
0x6: {  	[smem:$0x3FC6] =	sst s2  }
0x7: {  	_ = 	snop  }
0x8: {  	s2 =	sld [smem:$0x3FD0];
	_ =	sdelay $0x2  }
0x9: {  	s4 =	simm.s32 $0xA;
	s5 =	simm.s32 $0x10;
	s17 =	sld [smem:$0x3FC9]  }
0xa: {  	[smem:s5], [sflag:s4] =	dma.local [hbm:s2], $0x1  }
0xb: {  	_ =	swait.eq [sflag:s4], $0x1  }
0xc: {  	[sflag:s4] =	ssyncset.done $0x0  }
0xd: {  	[sflag:s4] =	ssyncadd.s32 $0xFFFFFFFF  }
0xe: {  	s18 =	sld [smem:$0x10];
	(tm) =	ssettm $0x1  }
0xf: {  	s19 =	sld [smem:$0x3FFB];
	_ =	sdelay $0x3  }
0x10: {  	_ =	strace s19  }
0x11: {  	s4 =	sld [smem:$0x3FFC];
	_ =	sdelay $0x3  }
0x12: {  	_ =	strace s4  }
0x13: {  	s4 =	sld [smem:$0x3FFD];
	_ =	sdelay $0x3  }
0x14: {  	_ =	strace s4  }
0x15: {  	_ =	strace $0x8FFFFFFF  }
0x16: {  	s20 =	sld [smem:$0x3FDB];
	_ =	sdelay $0x1  }
0x17: {  	s21 =	simm.s32 $_scs_section_size  }
0x18: {  	s6 =	simm.s32 $_size__tile_overlayer_lowered;
	s7 =	simm.s32 $_tile_overlayer_lowered  }
0x19: {  	s24 =	simm.s32 $0x1BFF;
	s23 =	sshll.u32 s7, $0x1;
	s4 =	sadd.s32 s21, s20  }
0x1a: {  	s8 =	simm.s32 $0x0;
	s22 =	sshll.u32 s6, $0x1;
	s6 =	sadd.s32 s23, s4  }
0x1b: {  	[timem:s8], [sflag:s24] =	dma.local [hbm:s6], s22  }
0x1c: {  	_ =	swait.ge [sflag:s24], s22  }
0x1d: {  	s5 =	ssub.s32 $0x0, s22;
	[sflag:s24] =	ssyncset.done $0x0  }
0x1e: {  	[sflag:s24] =	ssyncadd.s32 s5;
	_ =	sdelay $0x1  }
0x1f: {  	s25 =	simm.s32 $0x1B8B  }
0x20: {  	_ =	swait.ge [sflag:s25], $0x1  }
0x21: {  	[sflag:s25] =	ssyncset.done $0x0  }
0x22: {  	s26 =	simm.s32 $0x1B8E;
	[sflag:s25] =	ssyncadd.s32 $0xFFFFFFFF  }
0x23: {  	s27 =	simm.s32 $execute0_lowered;
	[smem:$0x3FD2] =	sst s26  }
0x24: {  	s5 =	sshll.u32 s27, $0x1;
	_ =	strace $0x80000046;
	[dreg:$0x1] =	wrdreg $0xFFFFFFFF  }
0x25: {  	s28 =	simm.s32 $_size_execute0_lowered;
	s4 =	sadd.s32 s4, s5;
	[dreg:$0x0] =	wrdreg $0x0  }
0x26: {  	s5 =	sshll.u32 s28, $0x1;
	[dreg:$0x2] =	wrdreg s4  }
0x27: {  	[dreg:$0x3] =	wrdreg s5  }
0x28: {  	[dreg:$0x4] =	wrdreg $0xC0  }
0x29: {  	_ =	task [dreg:s8], $0x5FFFF  }
0x2a: {  	[dreg:$0x1] =	wrdreg $0xFFFFFFFF  }
0x2b: {  	[dreg:$0x0] =	wrdreg $0x60  }
0x2c: {  	[dreg:$0x2] =	wrdreg s17  }
0x2d: {  	[dreg:$0x3] =	wrdreg s18  }
0x2e: {  	[dreg:$0x4] =	wrdreg $0x9  }
0x2f: {  	_ =	task.clear_ibuf [dreg:s8], $0x5FFFF;
	_ =	strace $0x90000046  }
0x30: {  	s29 =	simm.s32 $0x9;
	_ =	strace $0x80000048  }
0x31: {  	_ =	swait.ge [sflag:s29], $0x1  }
0x32: {  	[sflag:s29] =	ssyncadd.s32 $0xFFFFFFFF  }
0x33: {  	_ =	strace $0x90000048  }
0x34: {  	_ =	sfence  }
0x35: {  	s30 =	sld [smem:$0x0];
	_ =	sdelay $0x2  }
0x36: {  	s31 =	sshll.u32 s1, $0xD;
	s1 =	sshrl.u32 s1, $0x2  }
0x37: {  	s3 =	sand.u32 $0x4000, s31;
	s1 =	sadd.s32 s1, s30  }
0x38: {  	s0 =	sor.u32 s3, s0;
	s1 =	sshll.u32 s1, $0x11  }
0x39: {  	s0 =	sor.u32 s1, s0  }
0x3a: {  	s0 =	sadd.s32 $0x8F2B, s0  }
0x3b: {  	[sflag:s0] =	ssyncadd.remote.s32 $0x1  }
0x3c: {  	_ =	sfence.sel $0xFFFF  }
0x3d: {  	[dreg:$0x0] =	wrdreg $0xFFFFFFFF;
	(pc) =	sbr.abs _section_cstart, $3  }
0x3e: {  	[dreg:$0x1] =	wrdreg $0xFFFFFFFF  }
0x3f: {  	_ =	task.clear_ibuf [dreg:s8], $0x2FFFF;
	_ =	strace $0x9FFFFFFF  }
0x40: {  	(tm) =	ssettm $0x7FFFFFFF  }
0x41: {  	_ =	shalt  }
tec
execute0_lowered:
.L_overlay_start_1:
0x0: {  	(tag) =	ssettag $0x1  }
0x1: {  	s2 =	rddreg [dreg:$0x0]  }
0x2: {  	s3 =	rddreg [dreg:$0x1];
	s1 =	srdreg.scid  }
0x3: {  	s0 =	rddreg [dreg:$0x2];
	_ =	strace $0x80000047;
	s5 =	simm.s32 $0x1  }
0x4: {  	s8 =	simm.s32 $0x2;
	s14 =	simm.s32 $0x0;
	p0 =	por $0x0, $0x0  }
0x5: {  	s15 =	simm.s32 $0x0;
	s17 =	simm.s32 $0x0;
	s16 =	simm.s32 $0x0  }
0x6: {  	s10 =	simm.s32 $0x0;
	s11 =	simm.s32 $0x0;
	s4 =	sand.u32 $0x1, s1  }
.Ltmp0:
0x7: {  	s13 =	stileid.u32;
	s6 =	ssub.s32 $0x8, s4;
	(pc) =	sbr.rel .LBB1_1-.Ltmp0, $4  }
0x8: {  	s1 =	stileid.u32;
	[sflag:s5] =	ssyncpa.u1 $0x0;
	s7 =	sshrl.u32 s6, $0x1  }
0x9: {  	[sflag:s8] =	ssyncpa.u1 $0x0;
	s8 =	simm.s32 $0x800;
	s9 =	sadd.s32 s4, s7  }
0xa: {  	s12 =	smov.u32 s4;
	s6 =	ssub.s32 s6, s7;
	s31 =	sshll.u32 s9, $0x2  }
0xb: {  	s6 =	sshll.u32 s6, $0x2;
	s9 =	simm.s32 $0x0;
	s7 =	ssub.s32 $0x22, s31  }
.LBB1_4:
0xc: {  	_ =	sdelay $0x3  }
0xd: {  	[tilespmem:v0+s20+$0xFFFFFFA0 ss:$0x1] =	vst.idx.msk $0xffff, v6  }
0xe: {  	v56 =	vld.idx.msk [tilespmem:v1+s19+$0x30 ss:$0x1], $0xffff;
	[tilespmem:v0+s20+$0xFFFFFFB0 ss:$0x1] =	vst.idx.msk $0xffff, v4  }
0xf: {  	v57 =	vld.idx.msk [tilespmem:v1+s19+$0xFFFFFFC0 ss:$0x1], $0xffff;
	[tilespmem:v0+s20+$0xFFFFFFC0 ss:$0x1] =	vst.idx.msk $0xffff, v2  }
0x10: {  	v58 =	vld.idx.msk [tilespmem:v1+s19+$0xFFFFFFD0 ss:$0x1], $0xffff;
	[tilespmem:v0+s20+$0xFFFFFFD0 ss:$0x1] =	vst.idx.msk $0xffff, v3  }
0x11: {  	v59 =	vld.idx.msk [tilespmem:v1+s19+$0xFFFFFFE0 ss:$0x1], $0xffff;
	[tilespmem:v0+s20+$0xFFFFFFE0 ss:$0x1] =	vst.idx.msk $0xffff, v5  }
0x12: {  	v60 =	vld.idx.msk [tilespmem:v1+s19+$0xFFFFFFF0 ss:$0x1], $0xffff;
	[tilespmem:v0+s20+$0xFFFFFFF0 ss:$0x1] =	vst.idx.msk $0xffff, v7  }
0x13: {  	v61 =	vld.idx.msk [tilespmem:v1+s19+$0x0 ss:$0x1], $0xffff;
	[tilespmem:v0+s19+$0x0 ss:$0x1] =	vst.idx.msk $0xffff, v56  }
0x14: {  	v62 =	vld.idx.msk [tilespmem:v1+s19+$0x10 ss:$0x1], $0xffff;
	[tilespmem:v0+s19+$0xFFFFFF90 ss:$0x1] =	vst.idx.msk $0xffff, v57  }
0x15: {  	s17 =	sshll.u32 s17, $0x7;
	v63 =	vld.idx.msk [tilespmem:v1+s19+$0x20 ss:$0x1], $0xffff;
	s29 =	sand.u32 $0x78, s14;
	[tilespmem:v0+s19+$0xFFFFFFA0 ss:$0x1] =	vst.idx.msk $0xffff, v58  }
0x16: {  	s30 =	sshll.u32 s14, $0x3;
	s16 =	sshll.u32 s16, $0x10;
	s17 =	sand.u32 $0x380, s17;
	[tilespmem:v0+s19+$0xFFFFFFB0 ss:$0x1] =	vst.idx.msk $0xffff, v59  }
0x17: {  	s15 =	sshll.u32 s15, $0x8;
	s20 =	sand.u32 $0x400, s30;
	s17 =	sor.u32 s29, s17;
	[tilespmem:v0+s19+$0xFFFFFFC0 ss:$0x1] =	vst.idx.msk $0xffff, v60  }
0x18: {  	s31 =	sand.u32 $0x7, s14;
	s16 =	sadd.s32 s3, s16;
	s17 =	sor.u32 s20, s17;
	[tilespmem:v0+s19+$0xFFFFFFD0 ss:$0x1] =	vst.idx.msk $0xffff, v61  }
0x19: {  	s14 =	sshll.u32 s31, $0x12;
	s15 =	sadd.s32 s15, s16;
	s17 =	sshrl.u32 s17, $0x3;
	[tilespmem:v0+s19+$0xFFFFFFE0 ss:$0x1] =	vst.idx.msk $0xffff, v62  }
0x1a: {  	s14 =	sor.u32 $0x80, s14;
	[tilespmem:v0+s19+$0xFFFFFFF0 ss:$0x1] =	vst.idx.msk $0xffff, v63;
	s15 =	sadd.s32 s17, s15  }
0x1b: {  	[hbm4b:s15+s14] =	stream.strided.scatter [tilespmem:s18], [sflag:$0x2], $0x4000, s8, s14, $0x38;
	[tilespmem:$0x10000] =	vst v63  }
.LBB1_5:
0x1c: {  	s18 =	sadd.s32 $0x80, s10  }
0x1d: {  	s14 =	sadd.s32 $0x80, s11;
	s19 =	smov.u32 s11;
	p2 =	sgt.s32 s18, $0xFF  }
0x1e: {  	s19 =	smov.u32 @p2 s14  }
0x1f: {  	s20 =	smov.u32 s12;
	s14 =	sadd.s32 $0x2, s12;
	p3 =	sgt.s32 s19, $0xFF  }
0x20: {  	s20 =	smov.u32 @p3 s14  }
0x21: {  	s21 =	smov.u32 s13;
	s14 =	sadd.s32 $0x10, s13;
	p4 =	sgt.s32 s20, $0x7  }
0x22: {  	p1 =	slt.u32 s9, $0x2;
	s21 =	smov.u32 @p4 s14  }
0x23: {  	s9 =	sadd.s32 $0x1, s9;
	s18 =	simm.s32 @p2 $0x0;
	p2 =	sgt.s32 s21, $0xF  }
0x24: {  	s22 =	simm.s32 @!p1 $0x2;
	s21 =	smov.u32 @p2 s1;
	p2 =	sne.s32 s9, s7  }
.Ltmp1:
0x25: {  	s15 =	smov.u32 s11;
	_ =	swait.ge @!p1 [sflag:s22], $0x4000;
	(pc) =	sbr.rel @!p2 .LBB1_6-.Ltmp1, $4  }
0x26: {  	s17 =	smov.u32 s12;
	s16 =	smov.u32 s13;
	[sflag:s22] =	ssyncset.done @!p1 $0x0  }
0x27: {  	p0 =	por !p0, !p0;
	s19 =	simm.s32 @p3 $0x0;
	[sflag:s22] =	ssyncadd.s32 @!p1 $0xFFFFC000  }
0x28: {  	s11 =	smov.u32 s19;
	s20 =	smov.u32 @p4 s4;
	s14 =	smov.u32 s10  }
0x29: {  	s10 =	smov.u32 s18;
	s12 =	smov.u32 s20;
	s13 =	smov.u32 s21  }
.LBB1_1:
0x2a: {  	p1 =	sge.u32 s9, s6;
	s31 =	sadd.s32 $0xFFFFFFFF, s9  }
0x2b: {  	s18 =	sxor.u32 @!p1 $0xFFFFFFFF, s9;
	s19 =	sand.u32 @!p1 $0x78, s10;
	s20 =	sshll.u32 @!p1 s11, $0x8  }
0x2c: {  	s21 =	sshll.u32 @!p1 s10, $0x3;
	s22 =	sshll.u32 @!p1 s11, $0x7;
	s18 =	sshll.u32 @!p1 s18, $0xE  }
0x2d: {  	s20 =	sand.u32 @!p1 $0xF800, s20;
	s21 =	sand.u32 @!p1 $0xFC00, s21;
	s18 =	sand.u32 @!p1 $0x4000, s18  }
0x2e: {  	s20 =	sadd.s32 @!p1 s20, s21;
	s21 =	sand.u32 @!p1 $0x300, s22;
	s22 =	sand.u32 @!p1 $0x80, s22  }
0x2f: {  	s20 =	sor.u32 @!p1 s21, s20;
	s19 =	sor.u32 @!p1 s19, s22;
	s21 =	sshll.u32 @!p1 s13, $0x10  }
0x30: {  	s22 =	sshll.u32 @!p1 s12, $0xD;
	s20 =	sshrl.u32 @!p1 s20, $0x3;
	s21 =	sadd.s32 @!p1 s2, s21  }
0x31: {  	s19 =	sshrl.u32 @!p1 s19, $0x3;
	s21 =	sadd.s32 @!p1 s22, s21;
	s22 =	sand.u32 @!p1 $0x7, s10  }
0x32: {  	s20 =	sand.u32 @!p1 $0x1FE0, s20;
	s19 =	sadd.s32 @!p1 s19, s21;
	s21 =	sshll.u32 @!p1 s22, $0x12  }
0x33: {  	s19 =	sadd.s32 @!p1 s20, s19;
	s20 =	sor.u32 @!p1 $0x400, s21;
	s21 =	simm.s32 @!p1 $0x800  }
0x34: {  	[tilespmem:s18], [sflag:$0x1] =	stream.strided.gather @!p1 [hbm4b:s19+s20], $0x4000, s21, s20, $0x38;
	[tilespmem:$0x10000] =	vst v63  }
0x35: {  	p1 =	sge.u32 s31, s6  }
.Ltmp2:
0x36: {  	_ = 	snop;
	(pc) =	sbr.rel @p1 .LBB1_5-.Ltmp2, $1  }
0x37: {  	_ =	sdelay $0x3  }
0x38: {  	s18 =	simm.s32 $0x1  }
0x39: {  	s18 =	simm.s32 @!p0 $0x0  }
0x3a: {  	s18 =	sshll.u32 s18, $0xE  }
0x3b: {  	s19 =	sor.u32 $0x40, s18  }
0x3c: {  	v1 =	vmov s19;
	_ =	sdelay $0x1  }
0x3d: {  	_ =	swait.ge [sflag:s5], $0x4000  }
0x3e: {  	[sflag:s5] =	ssyncset.done $0x0  }
0x3f: {  	s20 =	simm.s32 $0x0;
	[sflag:s5] =	ssyncadd.s32 $0xFFFFC000  }
0x40: {  	s18 =	sor.u32 $0x8070, s18;
	v7 =	vld.idx.msk [tilespmem:v1+s20+$0x30 ss:$0x1], $0xffff  }
0x41: {  	v0 =	vmov s18;
	v8 =	vld.idx.msk [tilespmem:v1+s20+$0xFFFFFFC0 ss:$0x1], $0xffff  }
0x42: {  	v6 =	vld.idx.msk [tilespmem:v1+s20+$0xFFFFFFD0 ss:$0x1], $0xffff  }
0x43: {  	v4 =	vld.idx.msk [tilespmem:v1+s20+$0xFFFFFFE0 ss:$0x1], $0xffff  }
0x44: {  	v2 =	vld.idx.msk [tilespmem:v1+s20+$0xFFFFFFF0 ss:$0x1], $0xffff  }
0x45: {  	s31 =	sshll.u32 s9, $0xE;
	v3 =	vld.idx.msk [tilespmem:v1+s20+$0x0 ss:$0x1], $0xffff  }
0x46: {  	s18 =	sand.u32 $0x4000, s31;
	v5 =	vld.idx.msk [tilespmem:v1+s20+$0x10 ss:$0x1], $0xffff;
	[tilespmem:v0+s20+$0x0 ss:$0x1] =	vst.idx.msk $0xffff, v7  }
0x47: {  	s21 =	simm.s32 $0x400;
	s19 =	simm.s32 $0x80;
	s18 =	sor.u32 $0x8000, s18;
	[tilespmem:v0+s20+$0xFFFFFF90 ss:$0x1] =	vst.idx.msk $0xffff, v8;
	v7 =	vld.idx.msk [tilespmem:v1+s20+$0x20 ss:$0x1], $0xffff  }
.LBB1_3:
0x48: {  	p1 =	sne.s32 s21, $0xFE00;
	v8 =	vld.idx.msk [tilespmem:v1+s19+$0x30 ss:$0x1], $0xffff;
	[tilespmem:v0+s20+$0xFFFFFFA0 ss:$0x1] =	vst.idx.msk $0xffff, v6  }
0x49: {  	v9 =	vld.idx.msk [tilespmem:v1+s19+$0xFFFFFFC0 ss:$0x1], $0xffff;
	[tilespmem:v0+s20+$0xFFFFFFB0 ss:$0x1] =	vst.idx.msk $0xffff, v4  }
0x4a: {  	v6 =	vld.idx.msk [tilespmem:v1+s19+$0xFFFFFFD0 ss:$0x1], $0xffff;
	[tilespmem:v0+s20+$0xFFFFFFC0 ss:$0x1] =	vst.idx.msk $0xffff, v2  }
.Ltmp3:
0x4b: {  	v4 =	vld.idx.msk [tilespmem:v1+s19+$0xFFFFFFE0 ss:$0x1], $0xffff;
	[tilespmem:v0+s20+$0xFFFFFFD0 ss:$0x1] =	vst.idx.msk $0xffff, v3;
	(pc) =	sbr.rel @p1 .LBB1_3-.Ltmp3, $4  }
0x4c: {  	v2 =	vld.idx.msk [tilespmem:v1+s19+$0xFFFFFFF0 ss:$0x1], $0xffff;
	[tilespmem:v0+s20+$0xFFFFFFE0 ss:$0x1] =	vst.idx.msk $0xffff, v5  }
0x4d: {  	v3 =	vld.idx.msk [tilespmem:v1+s19+$0x0 ss:$0x1], $0xffff;
	[tilespmem:v0+s20+$0xFFFFFFF0 ss:$0x1] =	vst.idx.msk $0xffff, v7;
	s20 =	smov.u32 s19  }
0x4e: {  	v5 =	vld.idx.msk [tilespmem:v1+s20+$0x10 ss:$0x1], $0xffff;
	[tilespmem:v0+s20+$0x0 ss:$0x1] =	vst.idx.msk $0xffff, v8  }
0x4f: {  	s19 =	sshra.s32 s21, $0x2;
	s21 =	sadd.s32 $0x200, s21;
	[tilespmem:v0+s20+$0xFFFFFF90 ss:$0x1] =	vst.idx.msk $0xffff, v9;
	v7 =	vld.idx.msk [tilespmem:v1+s20+$0x20 ss:$0x1], $0xffff  }
.Ltmp4:
0x50: {  	_ = 	snop;
	(pc) =	sbr.rel .LBB1_4-.Ltmp4, $1  }
0x51: {  	_ =	sdelay $0x3  }
.LBB1_6:
0x52: {  	_ =	sfence.sel $0x180000  }
0x53: {  	s2 =	simm.s32 $0x1;
	[bflag:$0x0] =	sbarrier.arrive $0xFFFF  }
0x54: {  	s31 =	simm.s32 $0x2;
	[sflag:s2] =	ssyncpa.u1 $0x1  }
0x55: {  	[sflag:s31] =	ssyncpa.u1 $0x1  }
0x56: {  	p0 =	sne.s32 s1, $0x0;
	_ =	strace $0x90000047  }
0x57: {  	s0 =	sadd.s32 @!p0 $0x100000, s0;
	[bflag:$0x2] =	sbarrier.arrive $0xFFFF  }
0x58: {  	[sflag:s0] =	ssyncadd.tile.s32 @!p0 $0x1;
	_ =	shalt  }
.Lfunc_end1:
_tile_overlayer_lowered:
.L_overlay_start_2:
0x59: {  	(tag) =	ssettag $0x2  }
0x5a: {  	s0 =	rddreg [dreg:$0x0];
	s2 =	stileid.u32  }
0x5b: {  	s1 =	rddreg [dreg:$0x1];
	p0 =	sne.s32 s2, $0x0  }
0x5c: {  	s3 =	rddreg [dreg:$0x2];
	[bflag:$0x3] =	sbarrier.arrive $0xFFFF;
	s2 =	simm.s32 @!p0 $0x1C01  }
0x5d: {  	[timem:s3], [sflag:s2] =	dma.local @!p0 [hbm:s0], s1  }
0x5e: {  	s0 =	simm.s32 @!p0 $0x1  }
0x5f: {  	_ =	swait.ge @!p0 [sflag:s0], s1  }
0x60: {  	s1 =	ssub.s32 @!p0 $0x0, s1;
	[sflag:s0] =	ssyncset.done @!p0 $0x0  }
0x61: {  	[sflag:s0] =	ssyncadd.s32 @!p0 s1  }
0x62: {  	[bflag:$0x3] =	sbarrier.arrive $0xFFFF  }
0x63: {  	_ =	shalt  }

// kernel: sparse-core-data-format-call.cloned.1.call-start
scs
called_computation_lowered:
.L_overlay_start_0:
0x0: {  	s2 =	sld [smem:$0x3FD9]  }
0x1: {  	s3 =	sld [smem:$0x3FFE];
	_ =	sdelay $0x1  }
0x2: {  	s1 =	srdreg.scid  }
0x3: {  	s0 =	sand.u32 $0x1, s1  }
0x4: {  	s15 =	sshll.u32 s0, $0xA;
	s2 =	sadd.s32 s3, s2  }
0x5: {  	s2 =	sadd.s32 s2, s15  }
0x6: {  	[smem:$0x3FC6] =	sst s2  }
0x7: {  	_ = 	snop  }
0x8: {  	s2 =	sld [smem:$0x3FD0];
	_ =	sdelay $0x2  }
0x9: {  	s16 =	simm.s32 $0xA;
	s4 =	simm.s32 $0x10  }
0xa: {  	[smem:s4], [sflag:s16] =	dma.local [hbm:s2], $0x1  }
0xb: {  	_ =	swait.eq [sflag:s16], $0x1  }
0xc: {  	[sflag:s16] =	ssyncset.done $0x0  }
0xd: {  	[sflag:s16] =	ssyncadd.s32 $0xFFFFFFFF  }
0xe: {  	s17 =	sld [smem:$0x10];
	(tm) =	ssettm $0x1  }
0xf: {  	s18 =	sld [smem:$0x3FFB];
	_ =	sdelay $0x3  }
0x10: {  	_ =	strace s18  }
0x11: {  	s3 =	sld [smem:$0x3FFC];
	_ =	sdelay $0x3  }
0x12: {  	_ =	strace s3  }
0x13: {  	s3 =	sld [smem:$0x3FFD];
	_ =	sdelay $0x3  }
0x14: {  	_ =	strace s3  }
0x15: {  	_ =	strace $0x8FFFFFFF  }
0x16: {  	s19 =	sld [smem:$0x3FDB];
	_ =	sdelay $0x1  }
0x17: {  	s20 =	simm.s32 $_scs_section_size  }
0x18: {  	s5 =	simm.s32 $_size__tile_overlayer_lowered;
	s6 =	simm.s32 $_tile_overlayer_lowered  }
0x19: {  	s23 =	simm.s32 $0x1BFF;
	s22 =	sshll.u32 s6, $0x1;
	s3 =	sadd.s32 s20, s19  }
0x1a: {  	s7 =	simm.s32 $0x0;
	s21 =	sshll.u32 s5, $0x1;
	s5 =	sadd.s32 s22, s3  }
0x1b: {  	[timem:s7], [sflag:s23] =	dma.local [hbm:s5], s21  }
0x1c: {  	_ =	swait.ge [sflag:s23], s21  }
0x1d: {  	s4 =	ssub.s32 $0x0, s21;
	[sflag:s23] =	ssyncset.done $0x0  }
0x1e: {  	[sflag:s23] =	ssyncadd.s32 s4;
	_ =	sdelay $0x1  }
0x1f: {  	s24 =	simm.s32 $0x1B8B  }
0x20: {  	_ =	swait.ge [sflag:s24], $0x1  }
0x21: {  	[sflag:s24] =	ssyncset.done $0x0  }
0x22: {  	s26 =	simm.s32 $0x1B8E;
	s25 =	sld [smem:$0x3FFE];
	[sflag:s24] =	ssyncadd.s32 $0xFFFFFFFF  }
0x23: {  	s27 =	simm.s32 $execute0_lowered;
	[smem:$0x3FD2] =	sst s26  }
0x24: {  	s5 =	sshll.u32 s27, $0x1;
	_ =	strace $0x80000049;
	[dreg:$0x1] =	wrdreg $0xFFFFFFFF  }
0x25: {  	s28 =	simm.s32 $_size_execute0_lowered;
	s3 =	sadd.s32 s3, s5;
	[dreg:$0x0] =	wrdreg $0x0  }
0x26: {  	s5 =	sshll.u32 s28, $0x1;
	[dreg:$0x2] =	wrdreg s3  }
0x27: {  	[dreg:$0x3] =	wrdreg s5  }
0x28: {  	[dreg:$0x4] =	wrdreg $0xC0  }
0x29: {  	_ =	task [dreg:s7], $0x5FFFF  }
0x2a: {  	[dreg:$0x1] =	wrdreg $0xFFFFFFFF  }
0x2b: {  	[dreg:$0x0] =	wrdreg $0x60  }
0x2c: {  	[dreg:$0x2] =	wrdreg s25  }
0x2d: {  	[dreg:$0x3] =	wrdreg s17  }
0x2e: {  	[dreg:$0x4] =	wrdreg $0x9  }
0x2f: {  	_ =	task.clear_ibuf [dreg:s7], $0x5FFFF;
	_ =	strace $0x90000049  }
0x30: {  	s29 =	simm.s32 $0x9;
	_ =	strace $0x8000004B  }
0x31: {  	_ =	swait.ge [sflag:s29], $0x1  }
0x32: {  	[sflag:s29] =	ssyncadd.s32 $0xFFFFFFFF  }
0x33: {  	_ =	strace $0x9000004B  }
0x34: {  	_ =	sfence  }
0x35: {  	s30 =	sld [smem:$0x0];
	_ =	sdelay $0x2  }
0x36: {  	s31 =	sshll.u32 s1, $0xD;
	s1 =	sshrl.u32 s1, $0x2  }
0x37: {  	s3 =	sand.u32 $0x4000, s31;
	s1 =	sadd.s32 s1, s30  }
0x38: {  	s0 =	sor.u32 s3, s0;
	s1 =	sshll.u32 s1, $0x11  }
0x39: {  	s0 =	sor.u32 s1, s0  }
0x3a: {  	s0 =	sadd.s32 $0x8F2B, s0  }
0x3b: {  	[sflag:s0] =	ssyncadd.remote.s32 $0x1  }
0x3c: {  	_ =	sfence.sel $0xFFFF  }
0x3d: {  	[dreg:$0x0] =	wrdreg $0xFFFFFFFF;
	(pc) =	sbr.abs _section_cstart, $3  }
0x3e: {  	[dreg:$0x1] =	wrdreg $0xFFFFFFFF  }
0x3f: {  	_ =	task.clear_ibuf [dreg:s7], $0x2FFFF;
	_ =	strace $0x9FFFFFFF  }
0x40: {  	(tm) =	ssettm $0x7FFFFFFF  }
0x41: {  	_ =	shalt  }
tec
execute0_lowered:
.L_overlay_start_1:
0x0: {  	(tag) =	ssettag $0x1  }
0x1: {  	s1 =	rddreg [dreg:$0x0];
	s0 =	srdreg.scid  }
0x2: {  	s2 =	rddreg [dreg:$0x1];
	s5 =	simm.s32 $0x1;
	s8 =	simm.s32 $0x2  }
0x3: {  	s14 =	simm.s32 $0x0;
	s9 =	simm.s32 $0x10000;
	s10 =	simm.s32 $0x0  }
0x4: {  	s15 =	simm.s32 $0x0;
	s12 =	stileid.u32;
	s3 =	sshll.u32 s0, $0x3  }
0x5: {  	s13 =	simm.s32 $0x0;
	s21 =	simm.s32 $0x0;
	s3 =	sand.u32 $0x8, s3  }
.Ltmp0:
0x6: {  	s0 =	rddreg [dreg:$0x2];
	s6 =	ssub.s32 $0x100, s3;
	(pc) =	sbr.rel .LBB1_1-.Ltmp0, $4  }
0x7: {  	_ =	strace $0x8000004A;
	s4 =	sadd.s32 $0xC00, s1;
	s7 =	sshrl.u32 s6, $0x3  }
0x8: {  	[sflag:s5] =	ssyncpa.u1 $0x0;
	s6 =	sshrl.u32 s6, $0x4;
	s7 =	sand.u32 $0x1, s7  }
0x9: {  	s1 =	stileid.u32;
	[sflag:s8] =	ssyncpa.u1 $0x0;
	s6 =	sadd.s32 s6, s7  }
0xa: {  	s8 =	simm.s32 $0x800;
	s11 =	smov.u32 s3;
	s7 =	sadd.s32 $0x1, s6  }
.LBB1_7:
0xb: {  	s16 =	sadd.s32 $0x10, s11  }
0xc: {  	s14 =	sadd.s32 $0x10, s12;
	s18 =	smov.u32 s12;
	p1 =	sgt.s32 s16, $0xFF  }
0xd: {  	s18 =	smov.u32 @p1 s14  }
0xe: {  	s16 =	smov.u32 @p1 s3;
	p1 =	sgt.s32 s18, $0xF  }
0xf: {  	s18 =	smov.u32 @p1 s1;
	p1 =	sne.s32 s13, s7  }
.Ltmp1:
0x10: {  	p0 =	slt.u32 s13, $0x2;
	(pc) =	sbr.rel @!p1 .LBB1_8-.Ltmp1, $4  }
0x11: {  	s17 =	simm.s32 @!p0 $0x2  }
0x12: {  	s15 =	smov.u32 s12;
	s10 =	sadd.s32 $0x4000, s10;
	_ =	swait.ge @!p0 [sflag:s17], $0x4000  }
0x13: {  	s14 =	smov.u32 s11;
	[sflag:s17] =	ssyncset.done @!p0 $0x0;
	s11 =	smov.u32 s16  }
0x14: {  	s13 =	sadd.s32 $0x1, s13;
	[sflag:s17] =	ssyncadd.s32 @!p0 $0xFFFFC000;
	s12 =	smov.u32 s18  }
.LBB1_1:
0x15: {  	p0 =	sge.u32 s13, s6  }
0x16: {  	s31 =	sadd.s32 $0xFFFFFFFF, s13;
	s16 =	sxor.u32 @!p0 $0xFFFFFFFF, s13;
	s17 =	sshll.u32 @!p0 s12, $0x10  }
0x17: {  	s18 =	sshll.u32 @!p0 s11, $0x8;
	s16 =	sshll.u32 @!p0 s16, $0xE;
	s17 =	sadd.s32 @!p0 s4, s17  }
0x18: {  	s16 =	sand.u32 @!p0 $0x4000, s16;
	s17 =	sadd.s32 @!p0 s18, s17;
	s18 =	simm.s32 @!p0 $0x0  }
0x19: {  	[tilespmem:s16], [sflag:$0x1] =	stream.linear.gather @!p0 [hbm4b:s17+s18], $0x4000, $0x38;
	[tilespmem:$0x10000] =	vst v63  }
0x1a: {  	p0 =	sge.u32 s31, s6  }
.Ltmp2:
0x1b: {  	_ = 	snop;
	(pc) =	sbr.rel @p0 .LBB1_7-.Ltmp2, $1  }
0x1c: {  	_ =	sdelay $0x3  }
0x1d: {  	s16 =	sshll.u32 s10, $0x2;
	_ =	swait.ge [sflag:s5], $0x4000;
	s31 =	sshll.u32 s13, $0xE  }
0x1e: {  	p0 =	por $0x0, $0x0;
	s22 =	simm.s32 $0x0;
	s23 =	simm.s32 $0x0  }
0x1f: {  	s16 =	sand.u32 $0x10000, s16;
	[sflag:s5] =	ssyncset.done $0x0;
	s19 =	sand.u32 $0x4000, s31  }
0x20: {  	s20 =	sshrl.u32 s16, $0x2;
	[sflag:s5] =	ssyncadd.s32 $0xFFFFC000;
	s16 =	sor.u32 $0x8000, s19  }
0x21: {  	s17 =	sor.u32 $0x40, s20;
	s18 =	sor.u32 $0x8410, s20;
	s20 =	sadd.s32 $0x8400, s20  }
.LBB1_3:
0x22: {  	v1 =	vld [tilespmem:s17+$0xFFFFFFD0]  }
0x23: {  	v2 =	vld [tilespmem:s17+$0x430]  }
0x24: {  	s24 =	sshll.u32 s23, $0xB;
	v4 =	vld [tilespmem:s17+$0xFFFFFFE0]  }
0x25: {  	v7 =	vld [tilespmem:s17+$0xFFFFFFF0];
	v0 =	vmov s24  }
0x26: {  	v8 =	vld [tilespmem:s17+$0x0]  }
0x27: {  	s30 =	sand.u32 $0x300, s21;
	v9 =	vld [tilespmem:s17+$0x10]  }
0x28: {  	s25 =	sand.u32 $0x80, s21;
	v10 =	vld [tilespmem:s17+$0x20];
	s24 =	sadd.s32 s30, s19  }
0x29: {  	v11 =	vld [tilespmem:s17+$0x30];
	s24 =	sadd.s32 s25, s24;
	s25 =	simm.s32 $0x1;
	[tilespmem:s18+$0x60] =	vst v2  }
0x2a: {  	s31 =	sshll.u32 s22, $0x2;
	s25 =	simm.s32 @!p0 $0x0;
	[tilespmem:s18+$0xFFFFFC00] =	vst v1;
	v3 =	vld.idx.msk [tilespmem:v0+s24+$0x400 ss:$0x1], $0xffff  }
0x2b: {  	v6 =	vld [tilespmem:s17+$0x3D0];
	s25 =	sshll.u32 s25, $0x9;
	[tilespmem:s18+$0xFFFFFC10] =	vst v4;
	s24 =	sand.u32 $0xFFFFFC00, s31  }
0x2c: {  	v5 =	vld [tilespmem:s17+$0x3E0];
	[tilespmem:s18+$0xFFFFFC20] =	vst v7;
	s24 =	sor.u32 s25, s24  }
0x2d: {  	[tilespmem:s18+$0xFFFFFC30] =	vst v8;
	v4 =	vld [tilespmem:s17+$0x400];
	s24 =	sshrl.u32 s24, $0x2  }
0x2e: {  	[tilespmem:s18+$0xFFFFFC40] =	vst v9;
	v1 =	vld [tilespmem:s17+$0x410];
	s24 =	sadd.s32 s24, s20  }
0x2f: {  	[tilespmem:s24+$0x0] =	vst v3;
	v3 =	vld [tilespmem:s17+$0x3F0]  }
0x30: {  	s28 =	simm.s32 $0x80;
	s27 =	simm.s32 $0x100;
	[tilespmem:s18+$0xFFFFFC50] =	vst v10;
	v2 =	vld [tilespmem:s17+$0x420]  }
0x31: {  	s26 =	smov.u32 s18;
	s29 =	sand.u32 $0x300, s28;
	v7 =	vld [tilespmem:s17+$0xFFFFFFC0];
	[tilespmem:s18+$0xFFFFFC60] =	vst v11;
	s25 =	sadd.s32 $0x80, s17  }
.LBB1_4:
0x32: {  	p1 =	sne.s32 s27, $0x380;
	v8 =	vld [tilespmem:s25+$0xFFFFFFD0];
	s28 =	sand.u32 $0x80, s28;
	s29 =	sadd.s32 s29, s19;
	[tilespmem:s26+$0x0] =	vst v6  }
0x33: {  	s29 =	sadd.s32 s28, s29;
	v6 =	vld [tilespmem:s25+$0x430];
	[tilespmem:s26+$0x10] =	vst v5;
	s28 =	smov.u32 s27  }
0x34: {  	v5 =	vld.idx.msk [tilespmem:v0+s29+$0x400 ss:$0x1], $0xffff;
	[tilespmem:s26+$0x20] =	vst v3  }
0x35: {  	v3 =	vld [tilespmem:s25+$0xFFFFFFE0];
	[tilespmem:s26+$0x30] =	vst v4  }
0x36: {  	v4 =	vld [tilespmem:s25+$0xFFFFFFF0];
	[tilespmem:s26+$0xFFFFFBF0] =	vst v7  }
0x37: {  	v7 =	vld [tilespmem:s25+$0x0];
	[tilespmem:s26+$0x40] =	vst v1  }
0x38: {  	v1 =	vld [tilespmem:s25+$0x10];
	[tilespmem:s26+$0x50] =	vst v2;
	s26 =	sadd.s32 $0x800, s26  }
0x39: {  	s24 =	sadd.s32 $0x800, s24;
	v2 =	vld [tilespmem:s25+$0x20];
	[tilespmem:s26+$0x60] =	vst v6  }
0x3a: {  	v9 =	vld [tilespmem:s25+$0x30];
	[tilespmem:s24+$0x0] =	vst v5  }
0x3b: {  	[tilespmem:s26+$0xFFFFFC00] =	vst v8;
	v6 =	vld [tilespmem:s25+$0x3D0]  }
0x3c: {  	[tilespmem:s26+$0xFFFFFC10] =	vst v3;
	v5 =	vld [tilespmem:s25+$0x3E0]  }
.Ltmp3:
0x3d: {  	[tilespmem:s26+$0xFFFFFC20] =	vst v4;
	v3 =	vld [tilespmem:s25+$0x3F0];
	(pc) =	sbr.rel @p1 .LBB1_4-.Ltmp3, $4  }
0x3e: {  	[tilespmem:s26+$0xFFFFFC30] =	vst v7;
	v4 =	vld [tilespmem:s25+$0x400]  }
0x3f: {  	[tilespmem:s26+$0xFFFFFC40] =	vst v1;
	v1 =	vld [tilespmem:s25+$0x410]  }
0x40: {  	[tilespmem:s26+$0xFFFFFC50] =	vst v2;
	v2 =	vld [tilespmem:s25+$0x420]  }
0x41: {  	s27 =	sadd.s32 $0x80, s27;
	s29 =	sand.u32 $0x300, s28;
	v7 =	vld [tilespmem:s25+$0xFFFFFFC0];
	[tilespmem:s26+$0xFFFFFC60] =	vst v9;
	s25 =	sadd.s32 $0x80, s25  }
0x42: {  	[tilespmem:s26+$0x0] =	vst v6  }
0x43: {  	[tilespmem:s26+$0x10] =	vst v5  }
0x44: {  	v49 =	vld [tilespmem:s25+$0x430];
	[tilespmem:s26+$0x20] =	vst v3  }
0x45: {  	v50 =	vld [tilespmem:s25+$0xFFFFFFD0];
	[tilespmem:s26+$0x30] =	vst v4  }
0x46: {  	v51 =	vld [tilespmem:s25+$0xFFFFFFE0];
	[tilespmem:s26+$0x40] =	vst v1  }
0x47: {  	v52 =	vld [tilespmem:s25+$0xFFFFFFF0];
	[tilespmem:s26+$0x50] =	vst v2  }
0x48: {  	s31 =	sadd.s32 $0x800, s26;
	v53 =	vld [tilespmem:s25+$0x0];
	[tilespmem:s26+$0xFFFFFBF0] =	vst v7  }
0x49: {  	v54 =	vld [tilespmem:s25+$0x10];
	[tilespmem:s31+$0x60] =	vst v49  }
0x4a: {  	v55 =	vld [tilespmem:s25+$0x20];
	[tilespmem:s31+$0xFFFFFC00] =	vst v50  }
0x4b: {  	v56 =	vld [tilespmem:s25+$0x30];
	[tilespmem:s31+$0xFFFFFC10] =	vst v51  }
0x4c: {  	v57 =	vld [tilespmem:s25+$0x3D0];
	[tilespmem:s31+$0xFFFFFC20] =	vst v52  }
0x4d: {  	v58 =	vld [tilespmem:s25+$0x3E0];
	[tilespmem:s31+$0xFFFFFC30] =	vst v53  }
0x4e: {  	v59 =	vld [tilespmem:s25+$0x3F0];
	[tilespmem:s31+$0xFFFFFC40] =	vst v54  }
0x4f: {  	v60 =	vld [tilespmem:s25+$0x400];
	[tilespmem:s31+$0xFFFFFC50] =	vst v55  }
0x50: {  	v61 =	vld [tilespmem:s25+$0xFFFFFFC0];
	[tilespmem:s31+$0xFFFFFC60] =	vst v56  }
0x51: {  	s27 =	sand.u32 $0x80, s28;
	s30 =	sadd.s32 s29, s19;
	v62 =	vld [tilespmem:s25+$0x410];
	[tilespmem:s31+$0x0] =	vst v57  }
0x52: {  	v63 =	vld [tilespmem:s25+$0x420];
	s23 =	sadd.s32 $0x1, s23;
	s27 =	sadd.s32 s27, s30;
	[tilespmem:s31+$0x10] =	vst v58  }
0x53: {  	p1 =	sne.s32 s23, $0x8;
	v0 =	vld.idx.msk [tilespmem:v0+s27+$0x400 ss:$0x1], $0xffff;
	[tilespmem:s31+$0x20] =	vst v59  }
.Ltmp4:
0x54: {  	[tilespmem:s31+$0x30] =	vst v60;
	(pc) =	sbr.rel @p1 .LBB1_3-.Ltmp4, $4  }
0x55: {  	[tilespmem:s31+$0xFFFFFBF0] =	vst v61  }
0x56: {  	[tilespmem:s31+$0x40] =	vst v62  }
0x57: {  	s24 =	sadd.s32 $0x800, s24;
	s17 =	sadd.s32 $0x800, s17;
	[tilespmem:s31+$0x50] =	vst v63  }
0x58: {  	s22 =	sadd.s32 $0x80, s22;
	p0 =	por !p0, !p0;
	s18 =	sadd.s32 $0x80, s18;
	[tilespmem:s24+$0x0] =	vst v0  }
0x59: {  	s17 =	sshll.u32 s14, $0x8;
	s31 =	sshll.u32 s14, $0x7  }
.Ltmp5:
0x5a: {  	s17 =	sand.u32 $0xF800, s17;
	s14 =	sand.u32 $0x380, s31;
	(pc) =	sbr.rel .LBB1_7-.Ltmp5, $4  }
0x5b: {  	s15 =	sshll.u32 s15, $0x10;
	s14 =	sor.u32 s14, s17  }
0x5c: {  	s15 =	sadd.s32 s2, s15;
	s14 =	sshrl.u32 s14, $0x3  }
0x5d: {  	s14 =	sadd.s32 s14, s15  }
0x5e: {  	[hbm4b:s14+s8] =	stream.strided.scatter [tilespmem:s16], [sflag:$0x2], $0x4000, s9, s8, $0x38;
	[tilespmem:$0x10000] =	vst v63  }
.LBB1_8:
0x5f: {  	_ =	sfence.sel $0x180000  }
0x60: {  	s2 =	simm.s32 $0x1;
	[bflag:$0x0] =	sbarrier.arrive $0xFFFF  }
0x61: {  	s31 =	simm.s32 $0x2;
	[sflag:s2] =	ssyncpa.u1 $0x1  }
0x62: {  	[sflag:s31] =	ssyncpa.u1 $0x1  }
0x63: {  	p0 =	sne.s32 s1, $0x0;
	_ =	strace $0x9000004A  }
0x64: {  	s0 =	sadd.s32 @!p0 $0x100000, s0;
	[bflag:$0x2] =	sbarrier.arrive $0xFFFF  }
0x65: {  	[sflag:s0] =	ssyncadd.tile.s32 @!p0 $0x1;
	_ =	shalt  }
.Lfunc_end1:
_tile_overlayer_lowered:
.L_overlay_start_2:
0x66: {  	(tag) =	ssettag $0x2  }
0x67: {  	s0 =	rddreg [dreg:$0x0];
	s2 =	stileid.u32  }
0x68: {  	s1 =	rddreg [dreg:$0x1];
	p0 =	sne.s32 s2, $0x0  }
0x69: {  	s3 =	rddreg [dreg:$0x2];
	[bflag:$0x3] =	sbarrier.arrive $0xFFFF;
	s2 =	simm.s32 @!p0 $0x1C01  }
0x6a: {  	[timem:s3], [sflag:s2] =	dma.local @!p0 [hbm:s0], s1  }
0x6b: {  	s0 =	simm.s32 @!p0 $0x1  }
0x6c: {  	_ =	swait.ge @!p0 [sflag:s0], s1  }
0x6d: {  	s1 =	ssub.s32 @!p0 $0x0, s1;
	[sflag:s0] =	ssyncset.done @!p0 $0x0  }
0x6e: {  	[sflag:s0] =	ssyncadd.s32 @!p0 s1  }
0x6f: {  	[bflag:$0x3] =	sbarrier.arrive $0xFFFF  }
0x70: {  	_ =	shalt  }

</sc_bundles>
